<compile_context>
chip_gen: v7x
topology: tpu7x:2x2x1
jax: 0.10.2.dev20260603
libtpu: 0.0.44.dev20260713+nightly
codegen_flags: <defaults>
</compile_context>

<pallas_src>
import functools

import jax
import jax.numpy as jnp
from jax import lax
from jax.experimental import pallas as pl
from jax.experimental.pallas import tpu as pltpu
from jax.experimental.pallas import tpu_sc as plsc

F32 = jnp.float32
_N = 10000
_E = 320000
_G = 64
_W = 16
_CH = 128
_NCH = _E // _CH
_NC, _NS = 2, 16
_NWORK = _NC * _NS
_CPW = _NCH // _NWORK
_ZRA = 624
_ZRL = _N - (_NS - 1) * _ZRA
_RB = 1000
_NB = _N // _RB


_GRP = 6
_NGRP = _CPW // _GRP


def _segsum_body(tab_hbm, edges_hbm, zeros_hbm, out_hbm,
                 sidx, didx, rows, acc, sem0, sem1):
    c = lax.axis_index("c")
    s = lax.axis_index("s")
    wid = c * _NS + s
    rows_a = pl.ds(s * _ZRA, _ZRA)
    rows_l = pl.ds((_NS - 1) * _ZRA, _ZRL)
    sems = (sem0, sem1)

    my_chunks = pl.ds(wid * _CPW, _CPW)
    pltpu.sync_copy(edges_hbm.at[0, my_chunks], sidx.at[pl.ds(0, _CPW)])
    pltpu.sync_copy(edges_hbm.at[1, my_chunks], didx.at[pl.ds(0, _CPW)])
    has_extra = wid < _NCH - _CPW * _NWORK
    extra = pl.ds(_CPW * _NWORK + wid, 1)

    @pl.when(has_extra)
    def _():
        pltpu.sync_copy(edges_hbm.at[0, extra], sidx.at[pl.ds(_CPW, 1)])
        pltpu.sync_copy(edges_hbm.at[1, extra], didx.at[pl.ds(_CPW, 1)])

    @pl.when(s < _NS - 1)
    def _():
        pltpu.sync_copy(zeros_hbm.at[rows_a], acc.at[rows_a])

    @pl.when(s == _NS - 1)
    def _():
        pltpu.sync_copy(zeros_hbm.at[rows_l], acc.at[rows_l])

    plsc.subcore_barrier()

    def fire(g, p):
        for j in range(_GRP):
            pltpu.async_copy(tab_hbm.at[sidx.at[g * _GRP + j]],
                             rows.at[p, j], sems[p])

    def drain_scatter(g, p):
        for j in range(_GRP):
            pltpu.make_async_copy(zeros_hbm.at[pl.ds(0, _CH)],
                                  rows.at[p, j], sems[p]).wait()
        for j in range(_GRP):
            pltpu.sync_copy(rows.at[p, j], acc.at[didx.at[g * _GRP + j]],
                            add=True)

    _SKIP_EDGES = True
    if not _SKIP_EDGES:
        fire(0, 0)

    def body(g, carry):
        p = lax.rem(g, 2)

        @pl.when(p == 0)
        def _():
            fire(g, 0)
            drain_scatter(g - 1, 1)

        @pl.when(p == 1)
        def _():
            fire(g, 1)
            drain_scatter(g - 1, 0)

        return carry

    if not _SKIP_EDGES:
        lax.fori_loop(1, _NGRP, body, 0)
        drain_scatter(_NGRP - 1, (_NGRP - 1) % 2)

        @pl.when(has_extra)
        def _():
            pltpu.async_copy(tab_hbm.at[sidx.at[_CPW]], rows.at[0, 0], sem0)
            pltpu.make_async_copy(zeros_hbm.at[pl.ds(0, _CH)],
                                  rows.at[0, 0], sem0).wait()
            pltpu.sync_copy(rows.at[0, 0], acc.at[didx.at[_CPW]], add=True)

    plsc.subcore_barrier()

    @pl.when(s < _NS - 1)
    def _():
        pltpu.sync_copy(acc.at[rows_a], out_hbm.at[c, rows_a])

    @pl.when(s == _NS - 1)
    def _():
        pltpu.sync_copy(acc.at[rows_l], out_hbm.at[c, rows_l])


@functools.cache
def _make_segsum():
    return pl.kernel(
        _segsum_body,
        out_type=jax.ShapeDtypeStruct((_NC, _N, _W), F32),
        mesh=plsc.VectorSubcoreMesh(
            core_axis_name="c", subcore_axis_name="s",
            num_cores=_NC, num_subcores=_NS),
        scratch_types=[
            pltpu.VMEM((_CPW + 1, _CH), jnp.int32),
            pltpu.VMEM((_CPW + 1, _CH), jnp.int32),
            pltpu.VMEM((2, _GRP, _CH, _W), F32),
            pltpu.VMEM_SHARED((_N, _W), F32),
            pltpu.SemaphoreType.DMA,
            pltpu.SemaphoreType.DMA,
        ],
        compiler_params=pltpu.CompilerParams(use_tc_tiling_on_sc=False),
    )


def _halves(y_top, y_bot):
    z5 = jnp.zeros((_RB, _W - 11), F32)
    z1 = jnp.zeros((_RB, 1), F32)
    ones = jnp.ones((_RB, 1), F32)
    self_half = jnp.concatenate([y_top, z1, z5], axis=1)
    tab_half = jnp.concatenate([y_bot, ones, z5], axis=1)
    return self_half, tab_half


def _dot(a, b):
    return lax.dot_general(a, b, (((1,), (0,)), ((), ())),
                           precision=lax.Precision.HIGHEST,
                           preferred_element_type=F32)


def _k1_body(x_ref, w_ref, self_ref, tab_ref):
    x = x_ref[...]
    self_ref[...], tab_ref[...] = _halves(_dot(x, w_ref[:128]),
                                          _dot(x, w_ref[128:]))


def _k3_body(self_ref, p_ref, w_ref, self2_ref, tab2_ref):
    agg = p_ref[0] + p_ref[1]
    dinv = 1.0 / jnp.maximum(agg[:, 10:11], 1.0)
    h = jnp.maximum((self_ref[...] + agg * dinv)[:, :10], 0.0)
    self2_ref[...], tab2_ref[...] = _halves(_dot(h, w_ref[:10]),
                                            _dot(h, w_ref[10:]))


def _k5_body(self_ref, p_ref, b_ref, wfc_ref, out_ref, acc):
    i = pl.program_id(0)
    agg = p_ref[0] + p_ref[1]
    dinv = 1.0 / jnp.maximum(agg[:, 10:11], 1.0)
    h2 = self_ref[...] + agg * dinv
    cols = lax.broadcasted_iota(jnp.int32, (_RB, _W), 1)
    h2 = jnp.where(cols == 10, 1.0, h2)
    rows = lax.broadcasted_iota(jnp.int32, (_G, _RB), 0)
    onehot = (rows == b_ref[0]).astype(F32)
    part = lax.dot_general(onehot, h2, (((1,), (0,)), ((), ())),
                           precision=lax.Precision.HIGHEST,
                           preferred_element_type=F32)

    @pl.when(i == 0)
    def _():
        acc[...] = jnp.zeros((_G, _W), F32)

    acc[...] += part

    @pl.when(i == _NB - 1)
    def _():
        pooled = (acc[...] / jnp.maximum(acc[:, 10:11], 1.0))[:, :10]
        out_ref[...] = jax.nn.sigmoid(_dot(pooled, wfc_ref[...]))


_k1 = pl.pallas_call(
    _k1_body,
    grid=(_NB,),
    in_specs=[
        pl.BlockSpec((_RB, 128), lambda i: (i, 0)),
        pl.BlockSpec((256, 10), lambda i: (0, 0)),
    ],
    out_specs=[
        pl.BlockSpec((_RB, _W), lambda i: (i, 0)),
        pl.BlockSpec((_RB, _W), lambda i: (i, 0)),
    ],
    out_shape=[jax.ShapeDtypeStruct((_N, _W), F32)] * 2,
)

_k3 = pl.pallas_call(
    _k3_body,
    grid=(_NB,),
    in_specs=[
        pl.BlockSpec((_RB, _W), lambda i: (i, 0)),
        pl.BlockSpec((_NC, _RB, _W), lambda i: (0, i, 0)),
        pl.BlockSpec((20, 10), lambda i: (0, 0)),
    ],
    out_specs=[
        pl.BlockSpec((_RB, _W), lambda i: (i, 0)),
        pl.BlockSpec((_RB, _W), lambda i: (i, 0)),
    ],
    out_shape=[jax.ShapeDtypeStruct((_N, _W), F32)] * 2,
)

_k5 = pl.pallas_call(
    _k5_body,
    grid=(_NB,),
    in_specs=[
        pl.BlockSpec((_RB, _W), lambda i: (i, 0)),
        pl.BlockSpec((_NC, _RB, _W), lambda i: (0, i, 0)),
        pl.BlockSpec((1, 1, _RB), lambda i: (i, 0, 0)),
        pl.BlockSpec((10, 1), lambda i: (0, 0)),
    ],
    out_specs=pl.BlockSpec((_G, 1), lambda i: (0, 0)),
    out_shape=jax.ShapeDtypeStruct((_G, 1), F32),
    scratch_shapes=[pltpu.VMEM((_G, _W), F32)],
)


def kernel(x, edge_index, batch, W1, W2, Wfc):
    edges = edge_index.reshape(2, _NCH, _CH)
    zeros = jnp.zeros((_N, _W), F32)
    batch3 = batch.reshape(_NB, 1, _RB)

    segsum = _make_segsum()
    self1, tab1 = _k1(x, W1)
    p1 = segsum(tab1, edges, zeros)
    self2, tab2 = _k3(self1, p1, W2)
    p2 = segsum(tab2, edges, zeros)
    return _k5(self2, p2, batch3, Wfc)

# --- scband reference (transcript-rebuilt; emitter-appended) ---
"""Pipeline reference for scband-net-graph-sage-85358180040740 (READ-ONLY COPY).

The authoritative reference and input builder live on the scoring server;
editing this copy changes nothing except your own understanding.
"""

import jax, jax.numpy as jnp
import numpy as np

N = 10000
E = 320000
F_IN = 128
DIM = 10
G = 64


def setup_inputs(seed: int = 0) -> dict:
    key = jax.random.key(seed)
    k1, k2, k3, k4, k5, k6 = jax.random.split(key, 6)
    x = jax.random.normal(k1, (N, F_IN), dtype=jnp.float32)
    edge_index = jax.random.randint(k2, (2, E), 0, N, dtype=jnp.int32)
    batch = jnp.sort(jax.random.randint(k3, (N,), 0, G, dtype=jnp.int32))
    # SAGEConv with concat=True: weight acts on [x || mean_agg(x)], shape (2*in, out), bias=False
    W1 = jax.random.normal(k4, (2 * F_IN, DIM), dtype=jnp.float32) * 0.05
    W2 = jax.random.normal(k5, (2 * DIM, DIM), dtype=jnp.float32) * 0.05
    Wfc = jax.random.normal(k6, (DIM, 1), dtype=jnp.float32) * 0.05
    return {"x": x, "edge_index": edge_index, "batch": batch, "W1": W1, "W2": W2, "Wfc": Wfc}


def _sage_conv(x, edge_index, W):
    src = edge_index[0]
    dst = edge_index[1]
    msg = jnp.take(x, src, axis=0)
    agg = jax.ops.segment_sum(msg, dst, num_segments=N)
    deg = jax.ops.segment_sum(jnp.ones((E,), dtype=x.dtype), dst, num_segments=N)
    agg = agg / jnp.clip(deg, 1.0)[:, None]
    return jnp.concatenate([x, agg], axis=1) @ W


def reference(x, edge_index, batch, W1, W2, Wfc):
    h = jax.nn.relu(_sage_conv(x, edge_index, W1))
    h = _sage_conv(h, edge_index, W2)
    pooled_sum = jax.ops.segment_sum(h, batch, num_segments=G)
    counts = jax.ops.segment_sum(jnp.ones((N,), dtype=h.dtype), batch, num_segments=G)
    pooled = pooled_sum / jnp.clip(counts, 1.0)[:, None]
    out = pooled @ Wfc
    return jax.nn.sigmoid(out)

if __name__ == "__main__":
    import jax
    _d = setup_inputs()
    print(jax.jit(kernel)(*tuple(_d.values())))

</pallas_src>

<mosaic_0001>
#map = affine_map<(d0, d1) -> (0, 0)>
#map1 = affine_map<(d0, d1) -> (0, 0, 0)>
module attributes {stable_mosaic.version = 14 : i64} {
  func.func @_segsum_body(%arg0: i32, %arg1: i32, %arg2: memref<10000x16xf32, #tpu.memory_space<hbm>>, %arg3: memref<2x2500x128xi32, #tpu.memory_space<hbm>>, %arg4: memref<10000x16xf32, #tpu.memory_space<hbm>>, %arg5: memref<2x10000x16xf32, #tpu.memory_space<hbm>>, %arg6: memref<79x128xi32, #tpu.memory_space<vmem>>, %arg7: memref<79x128xi32, #tpu.memory_space<vmem>>, %arg8: memref<2x6x128x16xf32, #tpu.memory_space<vmem>>, %arg9: memref<10000x16xf32, #tpu.memory_space<vmem_shared>>, %arg10: memref<!tpu.dma_semaphore, #tpu.memory_space<semaphore_mem>>, %arg11: memref<!tpu.dma_semaphore, #tpu.memory_space<semaphore_mem>>) attributes {dimension_semantics = [#tpu.dimension_semantics<core_parallel>, #tpu.dimension_semantics<subcore_parallel>], iteration_bounds = array<i64: 2, 16>, scalar_prefetch = 0 : i64, scratch_operands = 6 : i64, tpu.core_type = #tpu.core_type<sc_vector_subcore>, window_params = [{transform_indices = #map}, {transform_indices = #map1}, {transform_indices = #map}, {transform_indices = #map1}]} {
    %mul3A = arith.constant 16 : i32
    %mul3A_0 = arith.muli %arg0, %mul3A : i32
    %add3A = arith.addi %mul3A_0, %arg1 : i32
    %mul3A_1 = arith.constant 624 : i32
    %mul3A_2 = arith.muli %arg1, %mul3A_1 : i32
    %mul3A_3 = arith.constant 78 : i32
    %mul3A_4 = arith.muli %add3A, %mul3A_3 : i32
    %run_scoped3A = arith.constant 0 : i32
    "tpu.region"() ({
      %run_scoped3A_30 = tpu.sem_alloc : memref<!tpu.dma_semaphore, #tpu.memory_space<semaphore_mem>>
      %dma_start3A = arith.constant 0 : i32
      %dma_start3A_31 = arith.constant 0 : i32
      %dma_start3A_32 = tpu.memref_slice %arg6[%dma_start3A, %dma_start3A_31] : memref<79x128xi32, #tpu.memory_space<vmem>> -> memref<78x128xi32, #tpu.memory_space<vmem>>
      %dma_start3A_33 = arith.constant 0 : i32
      %dma_start3A_34 = tpu.memref_slice %arg3[%run_scoped3A, %mul3A_4, %dma_start3A_33] : memref<2x2500x128xi32, #tpu.memory_space<hbm>> -> memref<1x78x128xi32, #tpu.memory_space<hbm>>
      %dma_start3A_35 = tpu.memref_squeeze %dma_start3A_34 : memref<1x78x128xi32, #tpu.memory_space<hbm>> -> memref<78x128xi32, #tpu.memory_space<hbm>>
      %dma_start3A_36 = arith.constant 0 : i32
      %dma_start3A_37 = arith.constant 0 : i32
      %dma_start3A_38 = tpu.memref_slice %arg6[%dma_start3A_36, %dma_start3A_37] : memref<79x128xi32, #tpu.memory_space<vmem>> -> memref<78x128xi32, #tpu.memory_space<vmem>>
      %dma_start3A_39 = arith.constant 0 : i32
      %dma_start3A_40 = tpu.memref_slice %arg3[%run_scoped3A, %mul3A_4, %dma_start3A_39] : memref<2x2500x128xi32, #tpu.memory_space<hbm>> -> memref<1x78x128xi32, #tpu.memory_space<hbm>>
      %dma_start3A_41 = tpu.memref_squeeze %dma_start3A_40 : memref<1x78x128xi32, #tpu.memory_space<hbm>> -> memref<78x128xi32, #tpu.memory_space<hbm>>
      tpu.enqueue_dma source(%dma_start3A_41 : memref<78x128xi32, #tpu.memory_space<hbm>>) target(%dma_start3A_38 : memref<78x128xi32, #tpu.memory_space<vmem>>) target_semaphore(%run_scoped3A_30 : memref<!tpu.dma_semaphore, #tpu.memory_space<semaphore_mem>>)
      %dma_wait3A = arith.constant 0 : i32
      %dma_wait3A_42 = arith.constant 0 : i32
      %dma_wait3A_43 = tpu.memref_slice %arg6[%dma_wait3A, %dma_wait3A_42] : memref<79x128xi32, #tpu.memory_space<vmem>> -> memref<78x128xi32, #tpu.memory_space<vmem>>
      %dma_wait3A_44 = arith.constant 0 : i32
      %dma_wait3A_45 = tpu.memref_slice %arg3[%run_scoped3A, %mul3A_4, %dma_wait3A_44] : memref<2x2500x128xi32, #tpu.memory_space<hbm>> -> memref<1x78x128xi32, #tpu.memory_space<hbm>>
      %dma_wait3A_46 = tpu.memref_squeeze %dma_wait3A_45 : memref<1x78x128xi32, #tpu.memory_space<hbm>> -> memref<78x128xi32, #tpu.memory_space<hbm>>
      %dma_wait3A_47 = arith.constant 0 : i32
      %dma_wait3A_48 = arith.constant 0 : i32
      %dma_wait3A_49 = tpu.memref_slice %arg6[%dma_wait3A_47, %dma_wait3A_48] : memref<79x128xi32, #tpu.memory_space<vmem>> -> memref<78x128xi32, #tpu.memory_space<vmem>>
      %dma_wait3A_50 = arith.constant 0 : i32
      %dma_wait3A_51 = tpu.memref_slice %arg3[%run_scoped3A, %mul3A_4, %dma_wait3A_50] : memref<2x2500x128xi32, #tpu.memory_space<hbm>> -> memref<1x78x128xi32, #tpu.memory_space<hbm>>
      %dma_wait3A_52 = tpu.memref_squeeze %dma_wait3A_51 : memref<1x78x128xi32, #tpu.memory_space<hbm>> -> memref<78x128xi32, #tpu.memory_space<hbm>>
      tpu.wait_dma2 semaphore(%run_scoped3A_30 : memref<!tpu.dma_semaphore, #tpu.memory_space<semaphore_mem>>) src(%dma_wait3A_52 : memref<78x128xi32, #tpu.memory_space<hbm>>) dst(%dma_wait3A_49 : memref<78x128xi32, #tpu.memory_space<vmem>>)
      tpu.yield
    }) : () -> ()
    %run_scoped3A_5 = arith.constant 1 : i32
    "tpu.region"() ({
      %run_scoped3A_30 = tpu.sem_alloc : memref<!tpu.dma_semaphore, #tpu.memory_space<semaphore_mem>>
      %dma_start3A = arith.constant 0 : i32
      %dma_start3A_31 = arith.constant 0 : i32
      %dma_start3A_32 = tpu.memref_slice %arg7[%dma_start3A, %dma_start3A_31] : memref<79x128xi32, #tpu.memory_space<vmem>> -> memref<78x128xi32, #tpu.memory_space<vmem>>
      %dma_start3A_33 = arith.constant 0 : i32
      %dma_start3A_34 = tpu.memref_slice %arg3[%run_scoped3A_5, %mul3A_4, %dma_start3A_33] : memref<2x2500x128xi32, #tpu.memory_space<hbm>> -> memref<1x78x128xi32, #tpu.memory_space<hbm>>
      %dma_start3A_35 = tpu.memref_squeeze %dma_start3A_34 : memref<1x78x128xi32, #tpu.memory_space<hbm>> -> memref<78x128xi32, #tpu.memory_space<hbm>>
      %dma_start3A_36 = arith.constant 0 : i32
      %dma_start3A_37 = arith.constant 0 : i32
      %dma_start3A_38 = tpu.memref_slice %arg7[%dma_start3A_36, %dma_start3A_37] : memref<79x128xi32, #tpu.memory_space<vmem>> -> memref<78x128xi32, #tpu.memory_space<vmem>>
      %dma_start3A_39 = arith.constant 0 : i32
      %dma_start3A_40 = tpu.memref_slice %arg3[%run_scoped3A_5, %mul3A_4, %dma_start3A_39] : memref<2x2500x128xi32, #tpu.memory_space<hbm>> -> memref<1x78x128xi32, #tpu.memory_space<hbm>>
      %dma_start3A_41 = tpu.memref_squeeze %dma_start3A_40 : memref<1x78x128xi32, #tpu.memory_space<hbm>> -> memref<78x128xi32, #tpu.memory_space<hbm>>
      tpu.enqueue_dma source(%dma_start3A_41 : memref<78x128xi32, #tpu.memory_space<hbm>>) target(%dma_start3A_38 : memref<78x128xi32, #tpu.memory_space<vmem>>) target_semaphore(%run_scoped3A_30 : memref<!tpu.dma_semaphore, #tpu.memory_space<semaphore_mem>>)
      %dma_wait3A = arith.constant 0 : i32
      %dma_wait3A_42 = arith.constant 0 : i32
      %dma_wait3A_43 = tpu.memref_slice %arg7[%dma_wait3A, %dma_wait3A_42] : memref<79x128xi32, #tpu.memory_space<vmem>> -> memref<78x128xi32, #tpu.memory_space<vmem>>
      %dma_wait3A_44 = arith.constant 0 : i32
      %dma_wait3A_45 = tpu.memref_slice %arg3[%run_scoped3A_5, %mul3A_4, %dma_wait3A_44] : memref<2x2500x128xi32, #tpu.memory_space<hbm>> -> memref<1x78x128xi32, #tpu.memory_space<hbm>>
      %dma_wait3A_46 = tpu.memref_squeeze %dma_wait3A_45 : memref<1x78x128xi32, #tpu.memory_space<hbm>> -> memref<78x128xi32, #tpu.memory_space<hbm>>
      %dma_wait3A_47 = arith.constant 0 : i32
      %dma_wait3A_48 = arith.constant 0 : i32
      %dma_wait3A_49 = tpu.memref_slice %arg7[%dma_wait3A_47, %dma_wait3A_48] : memref<79x128xi32, #tpu.memory_space<vmem>> -> memref<78x128xi32, #tpu.memory_space<vmem>>
      %dma_wait3A_50 = arith.constant 0 : i32
      %dma_wait3A_51 = tpu.memref_slice %arg3[%run_scoped3A_5, %mul3A_4, %dma_wait3A_50] : memref<2x2500x128xi32, #tpu.memory_space<hbm>> -> memref<1x78x128xi32, #tpu.memory_space<hbm>>
      %dma_wait3A_52 = tpu.memref_squeeze %dma_wait3A_51 : memref<1x78x128xi32, #tpu.memory_space<hbm>> -> memref<78x128xi32, #tpu.memory_space<hbm>>
      tpu.wait_dma2 semaphore(%run_scoped3A_30 : memref<!tpu.dma_semaphore, #tpu.memory_space<semaphore_mem>>) src(%dma_wait3A_52 : memref<78x128xi32, #tpu.memory_space<hbm>>) dst(%dma_wait3A_49 : memref<78x128xi32, #tpu.memory_space<vmem>>)
      tpu.yield
    }) : () -> ()
    %lt3A = arith.constant 4 : i32
    %lt3A_6 = arith.cmpi slt, %add3A, %lt3A : i32
    %add3A_7 = arith.constant 2496 : i32
    %add3A_8 = arith.addi %add3A_7, %add3A : i32
    %convert_element_type3A = arith.extui %lt3A_6 : i1 to i32
    %cond3A = arith.constant 0 : i32
    %cond3A_9 = arith.cmpi ne, %convert_element_type3A, %cond3A : i32
    scf.if %cond3A_9 {
      %run_scoped3A_30 = arith.constant 0 : i32
      "tpu.region"() ({
        %run_scoped3A_32 = tpu.sem_alloc : memref<!tpu.dma_semaphore, #tpu.memory_space<semaphore_mem>>
        %dma_start3A = arith.constant 78 : i32
        %dma_start3A_33 = arith.constant 0 : i32
        %dma_start3A_34 = tpu.memref_slice %arg6[%dma_start3A, %dma_start3A_33] : memref<79x128xi32, #tpu.memory_space<vmem>> -> memref<1x128xi32, #tpu.memory_space<vmem>>
        %dma_start3A_35 = arith.constant 0 : i32
        %dma_start3A_36 = tpu.memref_slice %arg3[%run_scoped3A_30, %add3A_8, %dma_start3A_35] : memref<2x2500x128xi32, #tpu.memory_space<hbm>> -> memref<1x1x128xi32, #tpu.memory_space<hbm>>
        %dma_start3A_37 = tpu.memref_squeeze %dma_start3A_36 : memref<1x1x128xi32, #tpu.memory_space<hbm>> -> memref<1x128xi32, #tpu.memory_space<hbm>>
        %dma_start3A_38 = arith.constant 78 : i32
        %dma_start3A_39 = arith.constant 0 : i32
        %dma_start3A_40 = tpu.memref_slice %arg6[%dma_start3A_38, %dma_start3A_39] : memref<79x128xi32, #tpu.memory_space<vmem>> -> memref<1x128xi32, #tpu.memory_space<vmem>>
        %dma_start3A_41 = arith.constant 0 : i32
        %dma_start3A_42 = tpu.memref_slice %arg3[%run_scoped3A_30, %add3A_8, %dma_start3A_41] : memref<2x2500x128xi32, #tpu.memory_space<hbm>> -> memref<1x1x128xi32, #tpu.memory_space<hbm>>
        %dma_start3A_43 = tpu.memref_squeeze %dma_start3A_42 : memref<1x1x128xi32, #tpu.memory_space<hbm>> -> memref<1x128xi32, #tpu.memory_space<hbm>>
        tpu.enqueue_dma source(%dma_start3A_43 : memref<1x128xi32, #tpu.memory_space<hbm>>) target(%dma_start3A_40 : memref<1x128xi32, #tpu.memory_space<vmem>>) target_semaphore(%run_scoped3A_32 : memref<!tpu.dma_semaphore, #tpu.memory_space<semaphore_mem>>)
        %dma_wait3A = arith.constant 78 : i32
        %dma_wait3A_44 = arith.constant 0 : i32
        %dma_wait3A_45 = tpu.memref_slice %arg6[%dma_wait3A, %dma_wait3A_44] : memref<79x128xi32, #tpu.memory_space<vmem>> -> memref<1x128xi32, #tpu.memory_space<vmem>>
        %dma_wait3A_46 = arith.constant 0 : i32
        %dma_wait3A_47 = tpu.memref_slice %arg3[%run_scoped3A_30, %add3A_8, %dma_wait3A_46] : memref<2x2500x128xi32, #tpu.memory_space<hbm>> -> memref<1x1x128xi32, #tpu.memory_space<hbm>>
        %dma_wait3A_48 = tpu.memref_squeeze %dma_wait3A_47 : memref<1x1x128xi32, #tpu.memory_space<hbm>> -> memref<1x128xi32, #tpu.memory_space<hbm>>
        %dma_wait3A_49 = arith.constant 78 : i32
        %dma_wait3A_50 = arith.constant 0 : i32
        %dma_wait3A_51 = tpu.memref_slice %arg6[%dma_wait3A_49, %dma_wait3A_50] : memref<79x128xi32, #tpu.memory_space<vmem>> -> memref<1x128xi32, #tpu.memory_space<vmem>>
        %dma_wait3A_52 = arith.constant 0 : i32
        %dma_wait3A_53 = tpu.memref_slice %arg3[%run_scoped3A_30, %add3A_8, %dma_wait3A_52] : memref<2x2500x128xi32, #tpu.memory_space<hbm>> -> memref<1x1x128xi32, #tpu.memory_space<hbm>>
        %dma_wait3A_54 = tpu.memref_squeeze %dma_wait3A_53 : memref<1x1x128xi32, #tpu.memory_space<hbm>> -> memref<1x128xi32, #tpu.memory_space<hbm>>
        tpu.wait_dma2 semaphore(%run_scoped3A_32 : memref<!tpu.dma_semaphore, #tpu.memory_space<semaphore_mem>>) src(%dma_wait3A_54 : memref<1x128xi32, #tpu.memory_space<hbm>>) dst(%dma_wait3A_51 : memref<1x128xi32, #tpu.memory_space<vmem>>)
        tpu.yield
      }) : () -> ()
      %run_scoped3A_31 = arith.constant 1 : i32
      "tpu.region"() ({
        %run_scoped3A_32 = tpu.sem_alloc : memref<!tpu.dma_semaphore, #tpu.memory_space<semaphore_mem>>
        %dma_start3A = arith.constant 78 : i32
        %dma_start3A_33 = arith.constant 0 : i32
        %dma_start3A_34 = tpu.memref_slice %arg7[%dma_start3A, %dma_start3A_33] : memref<79x128xi32, #tpu.memory_space<vmem>> -> memref<1x128xi32, #tpu.memory_space<vmem>>
        %dma_start3A_35 = arith.constant 0 : i32
        %dma_start3A_36 = tpu.memref_slice %arg3[%run_scoped3A_31, %add3A_8, %dma_start3A_35] : memref<2x2500x128xi32, #tpu.memory_space<hbm>> -> memref<1x1x128xi32, #tpu.memory_space<hbm>>
        %dma_start3A_37 = tpu.memref_squeeze %dma_start3A_36 : memref<1x1x128xi32, #tpu.memory_space<hbm>> -> memref<1x128xi32, #tpu.memory_space<hbm>>
        %dma_start3A_38 = arith.constant 78 : i32
        %dma_start3A_39 = arith.constant 0 : i32
        %dma_start3A_40 = tpu.memref_slice %arg7[%dma_start3A_38, %dma_start3A_39] : memref<79x128xi32, #tpu.memory_space<vmem>> -> memref<1x128xi32, #tpu.memory_space<vmem>>
        %dma_start3A_41 = arith.constant 0 : i32
        %dma_start3A_42 = tpu.memref_slice %arg3[%run_scoped3A_31, %add3A_8, %dma_start3A_41] : memref<2x2500x128xi32, #tpu.memory_space<hbm>> -> memref<1x1x128xi32, #tpu.memory_space<hbm>>
        %dma_start3A_43 = tpu.memref_squeeze %dma_start3A_42 : memref<1x1x128xi32, #tpu.memory_space<hbm>> -> memref<1x128xi32, #tpu.memory_space<hbm>>
        tpu.enqueue_dma source(%dma_start3A_43 : memref<1x128xi32, #tpu.memory_space<hbm>>) target(%dma_start3A_40 : memref<1x128xi32, #tpu.memory_space<vmem>>) target_semaphore(%run_scoped3A_32 : memref<!tpu.dma_semaphore, #tpu.memory_space<semaphore_mem>>)
        %dma_wait3A = arith.constant 78 : i32
        %dma_wait3A_44 = arith.constant 0 : i32
        %dma_wait3A_45 = tpu.memref_slice %arg7[%dma_wait3A, %dma_wait3A_44] : memref<79x128xi32, #tpu.memory_space<vmem>> -> memref<1x128xi32, #tpu.memory_space<vmem>>
        %dma_wait3A_46 = arith.constant 0 : i32
        %dma_wait3A_47 = tpu.memref_slice %arg3[%run_scoped3A_31, %add3A_8, %dma_wait3A_46] : memref<2x2500x128xi32, #tpu.memory_space<hbm>> -> memref<1x1x128xi32, #tpu.memory_space<hbm>>
        %dma_wait3A_48 = tpu.memref_squeeze %dma_wait3A_47 : memref<1x1x128xi32, #tpu.memory_space<hbm>> -> memref<1x128xi32, #tpu.memory_space<hbm>>
        %dma_wait3A_49 = arith.constant 78 : i32
        %dma_wait3A_50 = arith.constant 0 : i32
        %dma_wait3A_51 = tpu.memref_slice %arg7[%dma_wait3A_49, %dma_wait3A_50] : memref<79x128xi32, #tpu.memory_space<vmem>> -> memref<1x128xi32, #tpu.memory_space<vmem>>
        %dma_wait3A_52 = arith.constant 0 : i32
        %dma_wait3A_53 = tpu.memref_slice %arg3[%run_scoped3A_31, %add3A_8, %dma_wait3A_52] : memref<2x2500x128xi32, #tpu.memory_space<hbm>> -> memref<1x1x128xi32, #tpu.memory_space<hbm>>
        %dma_wait3A_54 = tpu.memref_squeeze %dma_wait3A_53 : memref<1x1x128xi32, #tpu.memory_space<hbm>> -> memref<1x128xi32, #tpu.memory_space<hbm>>
        tpu.wait_dma2 semaphore(%run_scoped3A_32 : memref<!tpu.dma_semaphore, #tpu.memory_space<semaphore_mem>>) src(%dma_wait3A_54 : memref<1x128xi32, #tpu.memory_space<hbm>>) dst(%dma_wait3A_51 : memref<1x128xi32, #tpu.memory_space<vmem>>)
        tpu.yield
      }) : () -> ()
    } else {
    }
    %lt3A_10 = arith.constant 15 : i32
    %lt3A_11 = arith.cmpi slt, %arg1, %lt3A_10 : i32
    %convert_element_type3A_12 = arith.extui %lt3A_11 : i1 to i32
    %cond3A_13 = arith.constant 0 : i32
    %cond3A_14 = arith.cmpi ne, %convert_element_type3A_12, %cond3A_13 : i32
    scf.if %cond3A_14 {
      "tpu.region"() ({
        %run_scoped3A_30 = tpu.sem_alloc : memref<!tpu.dma_semaphore, #tpu.memory_space<semaphore_mem>>
        %dma_start3A = arith.constant 0 : i32
        %dma_start3A_31 = tpu.memref_slice %arg9[%mul3A_2, %dma_start3A] : memref<10000x16xf32, #tpu.memory_space<vmem_shared>> -> memref<624x16xf32, #tpu.memory_space<vmem_shared>>
        %dma_start3A_32 = arith.constant 0 : i32
        %dma_start3A_33 = tpu.memref_slice %arg4[%mul3A_2, %dma_start3A_32] : memref<10000x16xf32, #tpu.memory_space<hbm>> -> memref<624x16xf32, #tpu.memory_space<hbm>>
        tpu.enqueue_dma source(%dma_start3A_33 : memref<624x16xf32, #tpu.memory_space<hbm>>) target(%dma_start3A_31 : memref<624x16xf32, #tpu.memory_space<vmem_shared>>) target_semaphore(%run_scoped3A_30 : memref<!tpu.dma_semaphore, #tpu.memory_space<semaphore_mem>>)
        %dma_wait3A = arith.constant 0 : i32
        %dma_wait3A_34 = tpu.memref_slice %arg9[%mul3A_2, %dma_wait3A] : memref<10000x16xf32, #tpu.memory_space<vmem_shared>> -> memref<624x16xf32, #tpu.memory_space<vmem_shared>>
        %dma_wait3A_35 = arith.constant 0 : i32
        %dma_wait3A_36 = tpu.memref_slice %arg4[%mul3A_2, %dma_wait3A_35] : memref<10000x16xf32, #tpu.memory_space<hbm>> -> memref<624x16xf32, #tpu.memory_space<hbm>>
        tpu.wait_dma2 semaphore(%run_scoped3A_30 : memref<!tpu.dma_semaphore, #tpu.memory_space<semaphore_mem>>) src(%dma_wait3A_36 : memref<624x16xf32, #tpu.memory_space<hbm>>) dst(%dma_wait3A_34 : memref<624x16xf32, #tpu.memory_space<vmem_shared>>)
        tpu.yield
      }) : () -> ()
    } else {
    }
    %eq3A = arith.constant 15 : i32
    %eq3A_15 = arith.cmpi eq, %arg1, %eq3A : i32
    %convert_element_type3A_16 = arith.extui %eq3A_15 : i1 to i32
    %cond3A_17 = arith.constant 0 : i32
    %cond3A_18 = arith.cmpi ne, %convert_element_type3A_16, %cond3A_17 : i32
    scf.if %cond3A_18 {
      "tpu.region"() ({
        %run_scoped3A_30 = tpu.sem_alloc : memref<!tpu.dma_semaphore, #tpu.memory_space<semaphore_mem>>
        %dma_start3A = arith.constant 9360 : i32
        %dma_start3A_31 = arith.constant 0 : i32
        %dma_start3A_32 = tpu.memref_slice %arg9[%dma_start3A, %dma_start3A_31] : memref<10000x16xf32, #tpu.memory_space<vmem_shared>> -> memref<640x16xf32, #tpu.memory_space<vmem_shared>>
        %dma_start3A_33 = arith.constant 9360 : i32
        %dma_start3A_34 = arith.constant 0 : i32
        %dma_start3A_35 = tpu.memref_slice %arg4[%dma_start3A_33, %dma_start3A_34] : memref<10000x16xf32, #tpu.memory_space<hbm>> -> memref<640x16xf32, #tpu.memory_space<hbm>>
        tpu.enqueue_dma source(%dma_start3A_35 : memref<640x16xf32, #tpu.memory_space<hbm>>) target(%dma_start3A_32 : memref<640x16xf32, #tpu.memory_space<vmem_shared>>) target_semaphore(%run_scoped3A_30 : memref<!tpu.dma_semaphore, #tpu.memory_space<semaphore_mem>>)
        %dma_wait3A = arith.constant 9360 : i32
        %dma_wait3A_36 = arith.constant 0 : i32
        %dma_wait3A_37 = tpu.memref_slice %arg9[%dma_wait3A, %dma_wait3A_36] : memref<10000x16xf32, #tpu.memory_space<vmem_shared>> -> memref<640x16xf32, #tpu.memory_space<vmem_shared>>
        %dma_wait3A_38 = arith.constant 9360 : i32
        %dma_wait3A_39 = arith.constant 0 : i32
        %dma_wait3A_40 = tpu.memref_slice %arg4[%dma_wait3A_38, %dma_wait3A_39] : memref<10000x16xf32, #tpu.memory_space<hbm>> -> memref<640x16xf32, #tpu.memory_space<hbm>>
        tpu.wait_dma2 semaphore(%run_scoped3A_30 : memref<!tpu.dma_semaphore, #tpu.memory_space<semaphore_mem>>) src(%dma_wait3A_40 : memref<640x16xf32, #tpu.memory_space<hbm>>) dst(%dma_wait3A_37 : memref<640x16xf32, #tpu.memory_space<vmem_shared>>)
        tpu.yield
      }) : () -> ()
    } else {
    }
    %barrier3A = arith.constant 0 : index
    tpu.barrier barrier_id(%barrier3A)
    %barrier3A_19 = arith.constant 0 : index
    tpu.barrier barrier_id(%barrier3A_19)
    %lt3A_20 = arith.constant 15 : i32
    %lt3A_21 = arith.cmpi slt, %arg1, %lt3A_20 : i32
    %convert_element_type3A_22 = arith.extui %lt3A_21 : i1 to i32
    %cond3A_23 = arith.constant 0 : i32
    %cond3A_24 = arith.cmpi ne, %convert_element_type3A_22, %cond3A_23 : i32
    scf.if %cond3A_24 {
      "tpu.region"() ({
        %run_scoped3A_30 = tpu.sem_alloc : memref<!tpu.dma_semaphore, #tpu.memory_space<semaphore_mem>>
        %dma_start3A = arith.constant 0 : i32
        %dma_start3A_31 = tpu.memref_slice %arg5[%arg0, %mul3A_2, %dma_start3A] : memref<2x10000x16xf32, #tpu.memory_space<hbm>> -> memref<1x624x16xf32, #tpu.memory_space<hbm>>
        %dma_start3A_32 = tpu.memref_squeeze %dma_start3A_31 : memref<1x624x16xf32, #tpu.memory_space<hbm>> -> memref<624x16xf32, #tpu.memory_space<hbm>>
        %dma_start3A_33 = arith.constant 0 : i32
        %dma_start3A_34 = tpu.memref_slice %arg9[%mul3A_2, %dma_start3A_33] : memref<10000x16xf32, #tpu.memory_space<vmem_shared>> -> memref<624x16xf32, #tpu.memory_space<vmem_shared>>
        tpu.enqueue_dma source(%dma_start3A_34 : memref<624x16xf32, #tpu.memory_space<vmem_shared>>) target(%dma_start3A_32 : memref<624x16xf32, #tpu.memory_space<hbm>>) target_semaphore(%run_scoped3A_30 : memref<!tpu.dma_semaphore, #tpu.memory_space<semaphore_mem>>)
        %dma_wait3A = arith.constant 0 : i32
        %dma_wait3A_35 = tpu.memref_slice %arg5[%arg0, %mul3A_2, %dma_wait3A] : memref<2x10000x16xf32, #tpu.memory_space<hbm>> -> memref<1x624x16xf32, #tpu.memory_space<hbm>>
        %dma_wait3A_36 = tpu.memref_squeeze %dma_wait3A_35 : memref<1x624x16xf32, #tpu.memory_space<hbm>> -> memref<624x16xf32, #tpu.memory_space<hbm>>
        %dma_wait3A_37 = arith.constant 0 : i32
        %dma_wait3A_38 = tpu.memref_slice %arg9[%mul3A_2, %dma_wait3A_37] : memref<10000x16xf32, #tpu.memory_space<vmem_shared>> -> memref<624x16xf32, #tpu.memory_space<vmem_shared>>
        tpu.wait_dma2 semaphore(%run_scoped3A_30 : memref<!tpu.dma_semaphore, #tpu.memory_space<semaphore_mem>>) src(%dma_wait3A_38 : memref<624x16xf32, #tpu.memory_space<vmem_shared>>) dst(%dma_wait3A_36 : memref<624x16xf32, #tpu.memory_space<hbm>>)
        tpu.yield
      }) : () -> ()
    } else {
    }
    %eq3A_25 = arith.constant 15 : i32
    %eq3A_26 = arith.cmpi eq, %arg1, %eq3A_25 : i32
    %convert_element_type3A_27 = arith.extui %eq3A_26 : i1 to i32
    %cond3A_28 = arith.constant 0 : i32
    %cond3A_29 = arith.cmpi ne, %convert_element_type3A_27, %cond3A_28 : i32
    scf.if %cond3A_29 {
      "tpu.region"() ({
        %run_scoped3A_30 = tpu.sem_alloc : memref<!tpu.dma_semaphore, #tpu.memory_space<semaphore_mem>>
        %dma_start3A = arith.constant 9360 : i32
        %dma_start3A_31 = arith.constant 0 : i32
        %dma_start3A_32 = tpu.memref_slice %arg5[%arg0, %dma_start3A, %dma_start3A_31] : memref<2x10000x16xf32, #tpu.memory_space<hbm>> -> memref<1x640x16xf32, #tpu.memory_space<hbm>>
        %dma_start3A_33 = tpu.memref_squeeze %dma_start3A_32 : memref<1x640x16xf32, #tpu.memory_space<hbm>> -> memref<640x16xf32, #tpu.memory_space<hbm>>
        %dma_start3A_34 = arith.constant 9360 : i32
        %dma_start3A_35 = arith.constant 0 : i32
        %dma_start3A_36 = tpu.memref_slice %arg9[%dma_start3A_34, %dma_start3A_35] : memref<10000x16xf32, #tpu.memory_space<vmem_shared>> -> memref<640x16xf32, #tpu.memory_space<vmem_shared>>
        tpu.enqueue_dma source(%dma_start3A_36 : memref<640x16xf32, #tpu.memory_space<vmem_shared>>) target(%dma_start3A_33 : memref<640x16xf32, #tpu.memory_space<hbm>>) target_semaphore(%run_scoped3A_30 : memref<!tpu.dma_semaphore, #tpu.memory_space<semaphore_mem>>)
        %dma_wait3A = arith.constant 9360 : i32
        %dma_wait3A_37 = arith.constant 0 : i32
        %dma_wait3A_38 = tpu.memref_slice %arg5[%arg0, %dma_wait3A, %dma_wait3A_37] : memref<2x10000x16xf32, #tpu.memory_space<hbm>> -> memref<1x640x16xf32, #tpu.memory_space<hbm>>
        %dma_wait3A_39 = tpu.memref_squeeze %dma_wait3A_38 : memref<1x640x16xf32, #tpu.memory_space<hbm>> -> memref<640x16xf32, #tpu.memory_space<hbm>>
        %dma_wait3A_40 = arith.constant 9360 : i32
        %dma_wait3A_41 = arith.constant 0 : i32
        %dma_wait3A_42 = tpu.memref_slice %arg9[%dma_wait3A_40, %dma_wait3A_41] : memref<10000x16xf32, #tpu.memory_space<vmem_shared>> -> memref<640x16xf32, #tpu.memory_space<vmem_shared>>
        tpu.wait_dma2 semaphore(%run_scoped3A_30 : memref<!tpu.dma_semaphore, #tpu.memory_space<semaphore_mem>>) src(%dma_wait3A_42 : memref<640x16xf32, #tpu.memory_space<vmem_shared>>) dst(%dma_wait3A_39 : memref<640x16xf32, #tpu.memory_space<hbm>>)
        tpu.yield
      }) : () -> ()
    } else {
    }
    return
  }
}

#map = affine_map<(d0, d1) -> (0, 0)>
#map1 = affine_map<(d0, d1) -> (0, 0, 0)>
module attributes {stable_mosaic.version = 14 : i64} {
  func.func @_segsum_body(%arg0: i32, %arg1: i32, %arg2: memref<10000x16xf32, #tpu.memory_space<hbm>>, %arg3: memref<2x2500x128xi32, #tpu.memory_space<hbm>>, %arg4: memref<10000x16xf32, #tpu.memory_space<hbm>>, %arg5: memref<2x10000x16xf32, #tpu.memory_space<hbm>>, %arg6: memref<79x128xi32, #tpu.memory_space<vmem>>, %arg7: memref<79x128xi32, #tpu.memory_space<vmem>>, %arg8: memref<2x6x128x16xf32, #tpu.memory_space<vmem>>, %arg9: memref<10000x16xf32, #tpu.memory_space<vmem_shared>>, %arg10: memref<!tpu.dma_semaphore, #tpu.memory_space<semaphore_mem>>, %arg11: memref<!tpu.dma_semaphore, #tpu.memory_space<semaphore_mem>>) attributes {dimension_semantics = [#tpu.dimension_semantics<core_parallel>, #tpu.dimension_semantics<subcore_parallel>], iteration_bounds = array<i64: 2, 16>, scalar_prefetch = 0 : i64, scratch_operands = 6 : i64, tpu.core_type = #tpu.core_type<sc_vector_subcore>, window_params = [{transform_indices = #map}, {transform_indices = #map1}, {transform_indices = #map}, {transform_indices = #map1}]} {
    %mul3A = arith.constant 16 : i32
    %mul3A_0 = arith.muli %arg0, %mul3A : i32
    %add3A = arith.addi %mul3A_0, %arg1 : i32
    %mul3A_1 = arith.constant 624 : i32
    %mul3A_2 = arith.muli %arg1, %mul3A_1 : i32
    %mul3A_3 = arith.constant 78 : i32
    %mul3A_4 = arith.muli %add3A, %mul3A_3 : i32
    %run_scoped3A = arith.constant 0 : i32
    "tpu.region"() ({
      %run_scoped3A_30 = tpu.sem_alloc : memref<!tpu.dma_semaphore, #tpu.memory_space<semaphore_mem>>
      %dma_start3A = arith.constant 0 : i32
      %dma_start3A_31 = arith.constant 0 : i32
      %dma_start3A_32 = tpu.memref_slice %arg6[%dma_start3A, %dma_start3A_31] : memref<79x128xi32, #tpu.memory_space<vmem>> -> memref<78x128xi32, #tpu.memory_space<vmem>>
      %dma_start3A_33 = arith.constant 0 : i32
      %dma_start3A_34 = tpu.memref_slice %arg3[%run_scoped3A, %mul3A_4, %dma_start3A_33] : memref<2x2500x128xi32, #tpu.memory_space<hbm>> -> memref<1x78x128xi32, #tpu.memory_space<hbm>>
      %dma_start3A_35 = tpu.memref_squeeze %dma_start3A_34 : memref<1x78x128xi32, #tpu.memory_space<hbm>> -> memref<78x128xi32, #tpu.memory_space<hbm>>
      %dma_start3A_36 = arith.constant 0 : i32
      %dma_start3A_37 = arith.constant 0 : i32
      %dma_start3A_38 = tpu.memref_slice %arg6[%dma_start3A_36, %dma_start3A_37] : memref<79x128xi32, #tpu.memory_space<vmem>> -> memref<78x128xi32, #tpu.memory_space<vmem>>
      %dma_start3A_39 = arith.constant 0 : i32
      %dma_start3A_40 = tpu.memref_slice %arg3[%run_scoped3A, %mul3A_4, %dma_start3A_39] : memref<2x2500x128xi32, #tpu.memory_space<hbm>> -> memref<1x78x128xi32, #tpu.memory_space<hbm>>
      %dma_start3A_41 = tpu.memref_squeeze %dma_start3A_40 : memref<1x78x128xi32, #tpu.memory_space<hbm>> -> memref<78x128xi32, #tpu.memory_space<hbm>>
      tpu.enqueue_dma source(%dma_start3A_41 : memref<78x128xi32, #tpu.memory_space<hbm>>) target(%dma_start3A_38 : memref<78x128xi32, #tpu.memory_space<vmem>>) target_semaphore(%run_scoped3A_30 : memref<!tpu.dma_semaphore, #tpu.memory_space<semaphore_mem>>)
      %dma_wait3A = arith.constant 0 : i32
      %dma_wait3A_42 = arith.constant 0 : i32
      %dma_wait3A_43 = tpu.memref_slice %arg6[%dma_wait3A, %dma_wait3A_42] : memref<79x128xi32, #tpu.memory_space<vmem>> -> memref<78x128xi32, #tpu.memory_space<vmem>>
      %dma_wait3A_44 = arith.constant 0 : i32
      %dma_wait3A_45 = tpu.memref_slice %arg3[%run_scoped3A, %mul3A_4, %dma_wait3A_44] : memref<2x2500x128xi32, #tpu.memory_space<hbm>> -> memref<1x78x128xi32, #tpu.memory_space<hbm>>
      %dma_wait3A_46 = tpu.memref_squeeze %dma_wait3A_45 : memref<1x78x128xi32, #tpu.memory_space<hbm>> -> memref<78x128xi32, #tpu.memory_space<hbm>>
      %dma_wait3A_47 = arith.constant 0 : i32
      %dma_wait3A_48 = arith.constant 0 : i32
      %dma_wait3A_49 = tpu.memref_slice %arg6[%dma_wait3A_47, %dma_wait3A_48] : memref<79x128xi32, #tpu.memory_space<vmem>> -> memref<78x128xi32, #tpu.memory_space<vmem>>
      %dma_wait3A_50 = arith.constant 0 : i32
      %dma_wait3A_51 = tpu.memref_slice %arg3[%run_scoped3A, %mul3A_4, %dma_wait3A_50] : memref<2x2500x128xi32, #tpu.memory_space<hbm>> -> memref<1x78x128xi32, #tpu.memory_space<hbm>>
      %dma_wait3A_52 = tpu.memref_squeeze %dma_wait3A_51 : memref<1x78x128xi32, #tpu.memory_space<hbm>> -> memref<78x128xi32, #tpu.memory_space<hbm>>
      tpu.wait_dma2 semaphore(%run_scoped3A_30 : memref<!tpu.dma_semaphore, #tpu.memory_space<semaphore_mem>>) src(%dma_wait3A_52 : memref<78x128xi32, #tpu.memory_space<hbm>>) dst(%dma_wait3A_49 : memref<78x128xi32, #tpu.memory_space<vmem>>)
      tpu.yield
    }) : () -> ()
    %run_scoped3A_5 = arith.constant 1 : i32
    "tpu.region"() ({
      %run_scoped3A_30 = tpu.sem_alloc : memref<!tpu.dma_semaphore, #tpu.memory_space<semaphore_mem>>
      %dma_start3A = arith.constant 0 : i32
      %dma_start3A_31 = arith.constant 0 : i32
      %dma_start3A_32 = tpu.memref_slice %arg7[%dma_start3A, %dma_start3A_31] : memref<79x128xi32, #tpu.memory_space<vmem>> -> memref<78x128xi32, #tpu.memory_space<vmem>>
      %dma_start3A_33 = arith.constant 0 : i32
      %dma_start3A_34 = tpu.memref_slice %arg3[%run_scoped3A_5, %mul3A_4, %dma_start3A_33] : memref<2x2500x128xi32, #tpu.memory_space<hbm>> -> memref<1x78x128xi32, #tpu.memory_space<hbm>>
      %dma_start3A_35 = tpu.memref_squeeze %dma_start3A_34 : memref<1x78x128xi32, #tpu.memory_space<hbm>> -> memref<78x128xi32, #tpu.memory_space<hbm>>
      %dma_start3A_36 = arith.constant 0 : i32
      %dma_start3A_37 = arith.constant 0 : i32
      %dma_start3A_38 = tpu.memref_slice %arg7[%dma_start3A_36, %dma_start3A_37] : memref<79x128xi32, #tpu.memory_space<vmem>> -> memref<78x128xi32, #tpu.memory_space<vmem>>
      %dma_start3A_39 = arith.constant 0 : i32
      %dma_start3A_40 = tpu.memref_slice %arg3[%run_scoped3A_5, %mul3A_4, %dma_start3A_39] : memref<2x2500x128xi32, #tpu.memory_space<hbm>> -> memref<1x78x128xi32, #tpu.memory_space<hbm>>
      %dma_start3A_41 = tpu.memref_squeeze %dma_start3A_40 : memref<1x78x128xi32, #tpu.memory_space<hbm>> -> memref<78x128xi32, #tpu.memory_space<hbm>>
      tpu.enqueue_dma source(%dma_start3A_41 : memref<78x128xi32, #tpu.memory_space<hbm>>) target(%dma_start3A_38 : memref<78x128xi32, #tpu.memory_space<vmem>>) target_semaphore(%run_scoped3A_30 : memref<!tpu.dma_semaphore, #tpu.memory_space<semaphore_mem>>)
      %dma_wait3A = arith.constant 0 : i32
      %dma_wait3A_42 = arith.constant 0 : i32
      %dma_wait3A_43 = tpu.memref_slice %arg7[%dma_wait3A, %dma_wait3A_42] : memref<79x128xi32, #tpu.memory_space<vmem>> -> memref<78x128xi32, #tpu.memory_space<vmem>>
      %dma_wait3A_44 = arith.constant 0 : i32
      %dma_wait3A_45 = tpu.memref_slice %arg3[%run_scoped3A_5, %mul3A_4, %dma_wait3A_44] : memref<2x2500x128xi32, #tpu.memory_space<hbm>> -> memref<1x78x128xi32, #tpu.memory_space<hbm>>
      %dma_wait3A_46 = tpu.memref_squeeze %dma_wait3A_45 : memref<1x78x128xi32, #tpu.memory_space<hbm>> -> memref<78x128xi32, #tpu.memory_space<hbm>>
      %dma_wait3A_47 = arith.constant 0 : i32
      %dma_wait3A_48 = arith.constant 0 : i32
      %dma_wait3A_49 = tpu.memref_slice %arg7[%dma_wait3A_47, %dma_wait3A_48] : memref<79x128xi32, #tpu.memory_space<vmem>> -> memref<78x128xi32, #tpu.memory_space<vmem>>
      %dma_wait3A_50 = arith.constant 0 : i32
      %dma_wait3A_51 = tpu.memref_slice %arg3[%run_scoped3A_5, %mul3A_4, %dma_wait3A_50] : memref<2x2500x128xi32, #tpu.memory_space<hbm>> -> memref<1x78x128xi32, #tpu.memory_space<hbm>>
      %dma_wait3A_52 = tpu.memref_squeeze %dma_wait3A_51 : memref<1x78x128xi32, #tpu.memory_space<hbm>> -> memref<78x128xi32, #tpu.memory_space<hbm>>
      tpu.wait_dma2 semaphore(%run_scoped3A_30 : memref<!tpu.dma_semaphore, #tpu.memory_space<semaphore_mem>>) src(%dma_wait3A_52 : memref<78x128xi32, #tpu.memory_space<hbm>>) dst(%dma_wait3A_49 : memref<78x128xi32, #tpu.memory_space<vmem>>)
      tpu.yield
    }) : () -> ()
    %lt3A = arith.constant 4 : i32
    %lt3A_6 = arith.cmpi slt, %add3A, %lt3A : i32
    %add3A_7 = arith.constant 2496 : i32
    %add3A_8 = arith.addi %add3A_7, %add3A : i32
    %convert_element_type3A = arith.extui %lt3A_6 : i1 to i32
    %cond3A = arith.constant 0 : i32
    %cond3A_9 = arith.cmpi ne, %convert_element_type3A, %cond3A : i32
    scf.if %cond3A_9 {
      %run_scoped3A_30 = arith.constant 0 : i32
      "tpu.region"() ({
        %run_scoped3A_32 = tpu.sem_alloc : memref<!tpu.dma_semaphore, #tpu.memory_space<semaphore_mem>>
        %dma_start3A = arith.constant 78 : i32
        %dma_start3A_33 = arith.constant 0 : i32
        %dma_start3A_34 = tpu.memref_slice %arg6[%dma_start3A, %dma_start3A_33] : memref<79x128xi32, #tpu.memory_space<vmem>> -> memref<1x128xi32, #tpu.memory_space<vmem>>
        %dma_start3A_35 = arith.constant 0 : i32
        %dma_start3A_36 = tpu.memref_slice %arg3[%run_scoped3A_30, %add3A_8, %dma_start3A_35] : memref<2x2500x128xi32, #tpu.memory_space<hbm>> -> memref<1x1x128xi32, #tpu.memory_space<hbm>>
        %dma_start3A_37 = tpu.memref_squeeze %dma_start3A_36 : memref<1x1x128xi32, #tpu.memory_space<hbm>> -> memref<1x128xi32, #tpu.memory_space<hbm>>
        %dma_start3A_38 = arith.constant 78 : i32
        %dma_start3A_39 = arith.constant 0 : i32
        %dma_start3A_40 = tpu.memref_slice %arg6[%dma_start3A_38, %dma_start3A_39] : memref<79x128xi32, #tpu.memory_space<vmem>> -> memref<1x128xi32, #tpu.memory_space<vmem>>
        %dma_start3A_41 = arith.constant 0 : i32
        %dma_start3A_42 = tpu.memref_slice %arg3[%run_scoped3A_30, %add3A_8, %dma_start3A_41] : memref<2x2500x128xi32, #tpu.memory_space<hbm>> -> memref<1x1x128xi32, #tpu.memory_space<hbm>>
        %dma_start3A_43 = tpu.memref_squeeze %dma_start3A_42 : memref<1x1x128xi32, #tpu.memory_space<hbm>> -> memref<1x128xi32, #tpu.memory_space<hbm>>
        tpu.enqueue_dma source(%dma_start3A_43 : memref<1x128xi32, #tpu.memory_space<hbm>>) target(%dma_start3A_40 : memref<1x128xi32, #tpu.memory_space<vmem>>) target_semaphore(%run_scoped3A_32 : memref<!tpu.dma_semaphore, #tpu.memory_space<semaphore_mem>>)
        %dma_wait3A = arith.constant 78 : i32
        %dma_wait3A_44 = arith.constant 0 : i32
        %dma_wait3A_45 = tpu.memref_slice %arg6[%dma_wait3A, %dma_wait3A_44] : memref<79x128xi32, #tpu.memory_space<vmem>> -> memref<1x128xi32, #tpu.memory_space<vmem>>
        %dma_wait3A_46 = arith.constant 0 : i32
        %dma_wait3A_47 = tpu.memref_slice %arg3[%run_scoped3A_30, %add3A_8, %dma_wait3A_46] : memref<2x2500x128xi32, #tpu.memory_space<hbm>> -> memref<1x1x128xi32, #tpu.memory_space<hbm>>
        %dma_wait3A_48 = tpu.memref_squeeze %dma_wait3A_47 : memref<1x1x128xi32, #tpu.memory_space<hbm>> -> memref<1x128xi32, #tpu.memory_space<hbm>>
        %dma_wait3A_49 = arith.constant 78 : i32
        %dma_wait3A_50 = arith.constant 0 : i32
        %dma_wait3A_51 = tpu.memref_slice %arg6[%dma_wait3A_49, %dma_wait3A_50] : memref<79x128xi32, #tpu.memory_space<vmem>> -> memref<1x128xi32, #tpu.memory_space<vmem>>
        %dma_wait3A_52 = arith.constant 0 : i32
        %dma_wait3A_53 = tpu.memref_slice %arg3[%run_scoped3A_30, %add3A_8, %dma_wait3A_52] : memref<2x2500x128xi32, #tpu.memory_space<hbm>> -> memref<1x1x128xi32, #tpu.memory_space<hbm>>
        %dma_wait3A_54 = tpu.memref_squeeze %dma_wait3A_53 : memref<1x1x128xi32, #tpu.memory_space<hbm>> -> memref<1x128xi32, #tpu.memory_space<hbm>>
        tpu.wait_dma2 semaphore(%run_scoped3A_32 : memref<!tpu.dma_semaphore, #tpu.memory_space<semaphore_mem>>) src(%dma_wait3A_54 : memref<1x128xi32, #tpu.memory_space<hbm>>) dst(%dma_wait3A_51 : memref<1x128xi32, #tpu.memory_space<vmem>>)
        tpu.yield
      }) : () -> ()
      %run_scoped3A_31 = arith.constant 1 : i32
      "tpu.region"() ({
        %run_scoped3A_32 = tpu.sem_alloc : memref<!tpu.dma_semaphore, #tpu.memory_space<semaphore_mem>>
        %dma_start3A = arith.constant 78 : i32
        %dma_start3A_33 = arith.constant 0 : i32
        %dma_start3A_34 = tpu.memref_slice %arg7[%dma_start3A, %dma_start3A_33] : memref<79x128xi32, #tpu.memory_space<vmem>> -> memref<1x128xi32, #tpu.memory_space<vmem>>
        %dma_start3A_35 = arith.constant 0 : i32
        %dma_start3A_36 = tpu.memref_slice %arg3[%run_scoped3A_31, %add3A_8, %dma_start3A_35] : memref<2x2500x128xi32, #tpu.memory_space<hbm>> -> memref<1x1x128xi32, #tpu.memory_space<hbm>>
        %dma_start3A_37 = tpu.memref_squeeze %dma_start3A_36 : memref<1x1x128xi32, #tpu.memory_space<hbm>> -> memref<1x128xi32, #tpu.memory_space<hbm>>
        %dma_start3A_38 = arith.constant 78 : i32
        %dma_start3A_39 = arith.constant 0 : i32
        %dma_start3A_40 = tpu.memref_slice %arg7[%dma_start3A_38, %dma_start3A_39] : memref<79x128xi32, #tpu.memory_space<vmem>> -> memref<1x128xi32, #tpu.memory_space<vmem>>
        %dma_start3A_41 = arith.constant 0 : i32
        %dma_start3A_42 = tpu.memref_slice %arg3[%run_scoped3A_31, %add3A_8, %dma_start3A_41] : memref<2x2500x128xi32, #tpu.memory_space<hbm>> -> memref<1x1x128xi32, #tpu.memory_space<hbm>>
        %dma_start3A_43 = tpu.memref_squeeze %dma_start3A_42 : memref<1x1x128xi32, #tpu.memory_space<hbm>> -> memref<1x128xi32, #tpu.memory_space<hbm>>
        tpu.enqueue_dma source(%dma_start3A_43 : memref<1x128xi32, #tpu.memory_space<hbm>>) target(%dma_start3A_40 : memref<1x128xi32, #tpu.memory_space<vmem>>) target_semaphore(%run_scoped3A_32 : memref<!tpu.dma_semaphore, #tpu.memory_space<semaphore_mem>>)
        %dma_wait3A = arith.constant 78 : i32
        %dma_wait3A_44 = arith.constant 0 : i32
        %dma_wait3A_45 = tpu.memref_slice %arg7[%dma_wait3A, %dma_wait3A_44] : memref<79x128xi32, #tpu.memory_space<vmem>> -> memref<1x128xi32, #tpu.memory_space<vmem>>
        %dma_wait3A_46 = arith.constant 0 : i32
        %dma_wait3A_47 = tpu.memref_slice %arg3[%run_scoped3A_31, %add3A_8, %dma_wait3A_46] : memref<2x2500x128xi32, #tpu.memory_space<hbm>> -> memref<1x1x128xi32, #tpu.memory_space<hbm>>
        %dma_wait3A_48 = tpu.memref_squeeze %dma_wait3A_47 : memref<1x1x128xi32, #tpu.memory_space<hbm>> -> memref<1x128xi32, #tpu.memory_space<hbm>>
        %dma_wait3A_49 = arith.constant 78 : i32
        %dma_wait3A_50 = arith.constant 0 : i32
        %dma_wait3A_51 = tpu.memref_slice %arg7[%dma_wait3A_49, %dma_wait3A_50] : memref<79x128xi32, #tpu.memory_space<vmem>> -> memref<1x128xi32, #tpu.memory_space<vmem>>
        %dma_wait3A_52 = arith.constant 0 : i32
        %dma_wait3A_53 = tpu.memref_slice %arg3[%run_scoped3A_31, %add3A_8, %dma_wait3A_52] : memref<2x2500x128xi32, #tpu.memory_space<hbm>> -> memref<1x1x128xi32, #tpu.memory_space<hbm>>
        %dma_wait3A_54 = tpu.memref_squeeze %dma_wait3A_53 : memref<1x1x128xi32, #tpu.memory_space<hbm>> -> memref<1x128xi32, #tpu.memory_space<hbm>>
        tpu.wait_dma2 semaphore(%run_scoped3A_32 : memref<!tpu.dma_semaphore, #tpu.memory_space<semaphore_mem>>) src(%dma_wait3A_54 : memref<1x128xi32, #tpu.memory_space<hbm>>) dst(%dma_wait3A_51 : memref<1x128xi32, #tpu.memory_space<vmem>>)
        tpu.yield
      }) : () -> ()
    } else {
    }
    %lt3A_10 = arith.constant 15 : i32
    %lt3A_11 = arith.cmpi slt, %arg1, %lt3A_10 : i32
    %convert_element_type3A_12 = arith.extui %lt3A_11 : i1 to i32
    %cond3A_13 = arith.constant 0 : i32
    %cond3A_14 = arith.cmpi ne, %convert_element_type3A_12, %cond3A_13 : i32
    scf.if %cond3A_14 {
      "tpu.region"() ({
        %run_scoped3A_30 = tpu.sem_alloc : memref<!tpu.dma_semaphore, #tpu.memory_space<semaphore_mem>>
        %dma_start3A = arith.constant 0 : i32
        %dma_start3A_31 = tpu.memref_slice %arg9[%mul3A_2, %dma_start3A] : memref<10000x16xf32, #tpu.memory_space<vmem_shared>> -> memref<624x16xf32, #tpu.memory_space<vmem_shared>>
        %dma_start3A_32 = arith.constant 0 : i32
        %dma_start3A_33 = tpu.memref_slice %arg4[%mul3A_2, %dma_start3A_32] : memref<10000x16xf32, #tpu.memory_space<hbm>> -> memref<624x16xf32, #tpu.memory_space<hbm>>
        tpu.enqueue_dma source(%dma_start3A_33 : memref<624x16xf32, #tpu.memory_space<hbm>>) target(%dma_start3A_31 : memref<624x16xf32, #tpu.memory_space<vmem_shared>>) target_semaphore(%run_scoped3A_30 : memref<!tpu.dma_semaphore, #tpu.memory_space<semaphore_mem>>)
        %dma_wait3A = arith.constant 0 : i32
        %dma_wait3A_34 = tpu.memref_slice %arg9[%mul3A_2, %dma_wait3A] : memref<10000x16xf32, #tpu.memory_space<vmem_shared>> -> memref<624x16xf32, #tpu.memory_space<vmem_shared>>
        %dma_wait3A_35 = arith.constant 0 : i32
        %dma_wait3A_36 = tpu.memref_slice %arg4[%mul3A_2, %dma_wait3A_35] : memref<10000x16xf32, #tpu.memory_space<hbm>> -> memref<624x16xf32, #tpu.memory_space<hbm>>
        tpu.wait_dma2 semaphore(%run_scoped3A_30 : memref<!tpu.dma_semaphore, #tpu.memory_space<semaphore_mem>>) src(%dma_wait3A_36 : memref<624x16xf32, #tpu.memory_space<hbm>>) dst(%dma_wait3A_34 : memref<624x16xf32, #tpu.memory_space<vmem_shared>>)
        tpu.yield
      }) : () -> ()
    } else {
    }
    %eq3A = arith.constant 15 : i32
    %eq3A_15 = arith.cmpi eq, %arg1, %eq3A : i32
    %convert_element_type3A_16 = arith.extui %eq3A_15 : i1 to i32
    %cond3A_17 = arith.constant 0 : i32
    %cond3A_18 = arith.cmpi ne, %convert_element_type3A_16, %cond3A_17 : i32
    scf.if %cond3A_18 {
      "tpu.region"() ({
        %run_scoped3A_30 = tpu.sem_alloc : memref<!tpu.dma_semaphore, #tpu.memory_space<semaphore_mem>>
        %dma_start3A = arith.constant 9360 : i32
        %dma_start3A_31 = arith.constant 0 : i32
        %dma_start3A_32 = tpu.memref_slice %arg9[%dma_start3A, %dma_start3A_31] : memref<10000x16xf32, #tpu.memory_space<vmem_shared>> -> memref<640x16xf32, #tpu.memory_space<vmem_shared>>
        %dma_start3A_33 = arith.constant 9360 : i32
        %dma_start3A_34 = arith.constant 0 : i32
        %dma_start3A_35 = tpu.memref_slice %arg4[%dma_start3A_33, %dma_start3A_34] : memref<10000x16xf32, #tpu.memory_space<hbm>> -> memref<640x16xf32, #tpu.memory_space<hbm>>
        tpu.enqueue_dma source(%dma_start3A_35 : memref<640x16xf32, #tpu.memory_space<hbm>>) target(%dma_start3A_32 : memref<640x16xf32, #tpu.memory_space<vmem_shared>>) target_semaphore(%run_scoped3A_30 : memref<!tpu.dma_semaphore, #tpu.memory_space<semaphore_mem>>)
        %dma_wait3A = arith.constant 9360 : i32
        %dma_wait3A_36 = arith.constant 0 : i32
        %dma_wait3A_37 = tpu.memref_slice %arg9[%dma_wait3A, %dma_wait3A_36] : memref<10000x16xf32, #tpu.memory_space<vmem_shared>> -> memref<640x16xf32, #tpu.memory_space<vmem_shared>>
        %dma_wait3A_38 = arith.constant 9360 : i32
        %dma_wait3A_39 = arith.constant 0 : i32
        %dma_wait3A_40 = tpu.memref_slice %arg4[%dma_wait3A_38, %dma_wait3A_39] : memref<10000x16xf32, #tpu.memory_space<hbm>> -> memref<640x16xf32, #tpu.memory_space<hbm>>
        tpu.wait_dma2 semaphore(%run_scoped3A_30 : memref<!tpu.dma_semaphore, #tpu.memory_space<semaphore_mem>>) src(%dma_wait3A_40 : memref<640x16xf32, #tpu.memory_space<hbm>>) dst(%dma_wait3A_37 : memref<640x16xf32, #tpu.memory_space<vmem_shared>>)
        tpu.yield
      }) : () -> ()
    } else {
    }
    %barrier3A = arith.constant 0 : index
    tpu.barrier barrier_id(%barrier3A)
    %barrier3A_19 = arith.constant 0 : index
    tpu.barrier barrier_id(%barrier3A_19)
    %lt3A_20 = arith.constant 15 : i32
    %lt3A_21 = arith.cmpi slt, %arg1, %lt3A_20 : i32
    %convert_element_type3A_22 = arith.extui %lt3A_21 : i1 to i32
    %cond3A_23 = arith.constant 0 : i32
    %cond3A_24 = arith.cmpi ne, %convert_element_type3A_22, %cond3A_23 : i32
    scf.if %cond3A_24 {
      "tpu.region"() ({
        %run_scoped3A_30 = tpu.sem_alloc : memref<!tpu.dma_semaphore, #tpu.memory_space<semaphore_mem>>
        %dma_start3A = arith.constant 0 : i32
        %dma_start3A_31 = tpu.memref_slice %arg5[%arg0, %mul3A_2, %dma_start3A] : memref<2x10000x16xf32, #tpu.memory_space<hbm>> -> memref<1x624x16xf32, #tpu.memory_space<hbm>>
        %dma_start3A_32 = tpu.memref_squeeze %dma_start3A_31 : memref<1x624x16xf32, #tpu.memory_space<hbm>> -> memref<624x16xf32, #tpu.memory_space<hbm>>
        %dma_start3A_33 = arith.constant 0 : i32
        %dma_start3A_34 = tpu.memref_slice %arg9[%mul3A_2, %dma_start3A_33] : memref<10000x16xf32, #tpu.memory_space<vmem_shared>> -> memref<624x16xf32, #tpu.memory_space<vmem_shared>>
        tpu.enqueue_dma source(%dma_start3A_34 : memref<624x16xf32, #tpu.memory_space<vmem_shared>>) target(%dma_start3A_32 : memref<624x16xf32, #tpu.memory_space<hbm>>) target_semaphore(%run_scoped3A_30 : memref<!tpu.dma_semaphore, #tpu.memory_space<semaphore_mem>>)
        %dma_wait3A = arith.constant 0 : i32
        %dma_wait3A_35 = tpu.memref_slice %arg5[%arg0, %mul3A_2, %dma_wait3A] : memref<2x10000x16xf32, #tpu.memory_space<hbm>> -> memref<1x624x16xf32, #tpu.memory_space<hbm>>
        %dma_wait3A_36 = tpu.memref_squeeze %dma_wait3A_35 : memref<1x624x16xf32, #tpu.memory_space<hbm>> -> memref<624x16xf32, #tpu.memory_space<hbm>>
        %dma_wait3A_37 = arith.constant 0 : i32
        %dma_wait3A_38 = tpu.memref_slice %arg9[%mul3A_2, %dma_wait3A_37] : memref<10000x16xf32, #tpu.memory_space<vmem_shared>> -> memref<624x16xf32, #tpu.memory_space<vmem_shared>>
        tpu.wait_dma2 semaphore(%run_scoped3A_30 : memref<!tpu.dma_semaphore, #tpu.memory_space<semaphore_mem>>) src(%dma_wait3A_38 : memref<624x16xf32, #tpu.memory_space<vmem_shared>>) dst(%dma_wait3A_36 : memref<624x16xf32, #tpu.memory_space<hbm>>)
        tpu.yield
      }) : () -> ()
    } else {
    }
    %eq3A_25 = arith.constant 15 : i32
    %eq3A_26 = arith.cmpi eq, %arg1, %eq3A_25 : i32
    %convert_element_type3A_27 = arith.extui %eq3A_26 : i1 to i32
    %cond3A_28 = arith.constant 0 : i32
    %cond3A_29 = arith.cmpi ne, %convert_element_type3A_27, %cond3A_28 : i32
    scf.if %cond3A_29 {
      "tpu.region"() ({
        %run_scoped3A_30 = tpu.sem_alloc : memref<!tpu.dma_semaphore, #tpu.memory_space<semaphore_mem>>
        %dma_start3A = arith.constant 9360 : i32
        %dma_start3A_31 = arith.constant 0 : i32
        %dma_start3A_32 = tpu.memref_slice %arg5[%arg0, %dma_start3A, %dma_start3A_31] : memref<2x10000x16xf32, #tpu.memory_space<hbm>> -> memref<1x640x16xf32, #tpu.memory_space<hbm>>
        %dma_start3A_33 = tpu.memref_squeeze %dma_start3A_32 : memref<1x640x16xf32, #tpu.memory_space<hbm>> -> memref<640x16xf32, #tpu.memory_space<hbm>>
        %dma_start3A_34 = arith.constant 9360 : i32
        %dma_start3A_35 = arith.constant 0 : i32
        %dma_start3A_36 = tpu.memref_slice %arg9[%dma_start3A_34, %dma_start3A_35] : memref<10000x16xf32, #tpu.memory_space<vmem_shared>> -> memref<640x16xf32, #tpu.memory_space<vmem_shared>>
        tpu.enqueue_dma source(%dma_start3A_36 : memref<640x16xf32, #tpu.memory_space<vmem_shared>>) target(%dma_start3A_33 : memref<640x16xf32, #tpu.memory_space<hbm>>) target_semaphore(%run_scoped3A_30 : memref<!tpu.dma_semaphore, #tpu.memory_space<semaphore_mem>>)
        %dma_wait3A = arith.constant 9360 : i32
        %dma_wait3A_37 = arith.constant 0 : i32
        %dma_wait3A_38 = tpu.memref_slice %arg5[%arg0, %dma_wait3A, %dma_wait3A_37] : memref<2x10000x16xf32, #tpu.memory_space<hbm>> -> memref<1x640x16xf32, #tpu.memory_space<hbm>>
        %dma_wait3A_39 = tpu.memref_squeeze %dma_wait3A_38 : memref<1x640x16xf32, #tpu.memory_space<hbm>> -> memref<640x16xf32, #tpu.memory_space<hbm>>
        %dma_wait3A_40 = arith.constant 9360 : i32
        %dma_wait3A_41 = arith.constant 0 : i32
        %dma_wait3A_42 = tpu.memref_slice %arg9[%dma_wait3A_40, %dma_wait3A_41] : memref<10000x16xf32, #tpu.memory_space<vmem_shared>> -> memref<640x16xf32, #tpu.memory_space<vmem_shared>>
        tpu.wait_dma2 semaphore(%run_scoped3A_30 : memref<!tpu.dma_semaphore, #tpu.memory_space<semaphore_mem>>) src(%dma_wait3A_42 : memref<640x16xf32, #tpu.memory_space<vmem_shared>>) dst(%dma_wait3A_39 : memref<640x16xf32, #tpu.memory_space<hbm>>)
        tpu.yield
      }) : () -> ()
    } else {
    }
    return
  }
}

module attributes {stable_mosaic.version = 14 : i64} {
  func.func @_k1_body(%arg0: i32, %arg1: memref<1000x128xf32, #tpu.memory_space<vmem>>, %arg2: memref<256x10xf32, #tpu.memory_space<vmem>>, %arg3: memref<1000x16xf32, #tpu.memory_space<vmem>>, %arg4: memref<1000x16xf32, #tpu.memory_space<vmem>>) attributes {dimension_semantics = [#tpu.dimension_semantics<arbitrary>], iteration_bounds = array<i64: 10>, scalar_prefetch = 0 : i64, scratch_operands = 0 : i64, tpu.core_type = #tpu.core_type<tc>, window_params = [{transform_indices = @transform_0, window_bounds = array<i64: 1000, 128>}, {pipeline_mode = #tpu.pipeline_mode<synchronous>, transform_indices = @transform_1, window_bounds = array<i64: 256, 10>}, {transform_indices = @transform_2, window_bounds = array<i64: 1000, 16>}, {transform_indices = @transform_3, window_bounds = array<i64: 1000, 16>}]} {
    %get3A = arith.constant 0 : index
    %get3A_0 = arith.constant 0 : index
    %get3A_1 = vector.load %arg1[%get3A, %get3A_0] : memref<1000x128xf32, #tpu.memory_space<vmem>>, vector<1000x128xf32>
    %get3A_2 = arith.constant 0 : index
    %get3A_3 = arith.constant 0 : index
    %get3A_4 = vector.load %arg2[%get3A_2, %get3A_3] : memref<256x10xf32, #tpu.memory_space<vmem>>, vector<128x10xf32>
    %dot_general3A = arith.constant dense<0.000000e+00> : vector<1000x10xf32>
    %dot_general3A_5 = tpu.matmul %get3A_1, %get3A_4, %dot_general3A {dimension_numbers = #tpu.dot_dimension_numbers<[1], [0], [0], [1], [0, 0, 1, 1], [], []>, precision = #tpu.contract_precision<fp32>, transpose_lhs_hint = false} : vector<1000x128xf32>, vector<128x10xf32>, vector<1000x10xf32> -> vector<1000x10xf32>
    %get3A_6 = arith.constant 128 : index
    %get3A_7 = arith.constant 0 : index
    %get3A_8 = vector.load %arg2[%get3A_6, %get3A_7] : memref<256x10xf32, #tpu.memory_space<vmem>>, vector<128x10xf32>
    %dot_general3A_9 = arith.constant dense<0.000000e+00> : vector<1000x10xf32>
    %dot_general3A_10 = tpu.matmul %get3A_1, %get3A_8, %dot_general3A_9 {dimension_numbers = #tpu.dot_dimension_numbers<[1], [0], [0], [1], [0, 0, 1, 1], [], []>, precision = #tpu.contract_precision<fp32>, transpose_lhs_hint = false} : vector<1000x128xf32>, vector<128x10xf32>, vector<1000x10xf32> -> vector<1000x10xf32>
    %broadcast_in_dim3A = arith.constant 0.000000e+00 : f32
    %broadcast_in_dim3A_11 = vector.broadcast %broadcast_in_dim3A : f32 to vector<1000x5xf32>
    %broadcast_in_dim3A_12 = arith.constant 0.000000e+00 : f32
    %broadcast_in_dim3A_13 = vector.broadcast %broadcast_in_dim3A_12 : f32 to vector<1000x1xf32>
    %broadcast_in_dim3A_14 = arith.constant 1.000000e+00 : f32
    %broadcast_in_dim3A_15 = vector.broadcast %broadcast_in_dim3A_14 : f32 to vector<1000x1xf32>
    %concatenate3A = tpu.concatenate %dot_general3A_5, %broadcast_in_dim3A_13, %broadcast_in_dim3A_11 in 1 : vector<1000x10xf32>, vector<1000x1xf32>, vector<1000x5xf32> -> vector<1000x16xf32>
    %concatenate3A_16 = tpu.concatenate %dot_general3A_10, %broadcast_in_dim3A_15, %broadcast_in_dim3A_11 in 1 : vector<1000x10xf32>, vector<1000x1xf32>, vector<1000x5xf32> -> vector<1000x16xf32>
    %swap3A = arith.constant 0 : index
    %swap3A_17 = arith.constant 0 : index
    %swap3A_18 = vector.load %arg3[%swap3A, %swap3A_17] : memref<1000x16xf32, #tpu.memory_space<vmem>>, vector<1000x16xf32>
    tpu.vector_store %arg3[%swap3A, %swap3A_17], %concatenate3A {strides = array<i32>} : memref<1000x16xf32, #tpu.memory_space<vmem>>, vector<1000x16xf32>,
    %swap3A_19 = arith.constant 0 : index
    %swap3A_20 = arith.constant 0 : index
    %swap3A_21 = vector.load %arg4[%swap3A_19, %swap3A_20] : memref<1000x16xf32, #tpu.memory_space<vmem>>, vector<1000x16xf32>
    tpu.vector_store %arg4[%swap3A_19, %swap3A_20], %concatenate3A_16 {strides = array<i32>} : memref<1000x16xf32, #tpu.memory_space<vmem>>, vector<1000x16xf32>,
    return
  }
  func.func @transform_0(%arg0: i32) -> (i32, i32) {
    %c0_i32 = arith.constant 0 : i32
    %c0_i32_0 = arith.constant 0 : i32
    return %arg0, %c0_i32 : i32, i32
  }
  func.func @transform_1(%arg0: i32) -> (i32, i32) {
    %c0_i32 = arith.constant 0 : i32
    %c0_i32_0 = arith.constant 0 : i32
    %c0_i32_1 = arith.constant 0 : i32
    return %c0_i32, %c0_i32_0 : i32, i32
  }
  func.func @transform_2(%arg0: i32) -> (i32, i32) {
    %c0_i32 = arith.constant 0 : i32
    %c0_i32_0 = arith.constant 0 : i32
    return %arg0, %c0_i32 : i32, i32
  }
  func.func @transform_3(%arg0: i32) -> (i32, i32) {
    %c0_i32 = arith.constant 0 : i32
    %c0_i32_0 = arith.constant 0 : i32
    return %arg0, %c0_i32 : i32, i32
  }
}

module attributes {stable_mosaic.version = 14 : i64} {
  func.func @_k3_body(%arg0: i32, %arg1: memref<1000x16xf32, #tpu.memory_space<vmem>>, %arg2: memref<2x1000x16xf32, #tpu.memory_space<vmem>>, %arg3: memref<20x10xf32, #tpu.memory_space<vmem>>, %arg4: memref<1000x16xf32, #tpu.memory_space<vmem>>, %arg5: memref<1000x16xf32, #tpu.memory_space<vmem>>) attributes {dimension_semantics = [#tpu.dimension_semantics<arbitrary>], iteration_bounds = array<i64: 10>, scalar_prefetch = 0 : i64, scratch_operands = 0 : i64, tpu.core_type = #tpu.core_type<tc>, window_params = [{transform_indices = @transform_0, window_bounds = array<i64: 1000, 16>}, {transform_indices = @transform_1, window_bounds = array<i64: 2, 1000, 16>}, {pipeline_mode = #tpu.pipeline_mode<synchronous>, transform_indices = @transform_2, window_bounds = array<i64: 20, 10>}, {transform_indices = @transform_3, window_bounds = array<i64: 1000, 16>}, {transform_indices = @transform_4, window_bounds = array<i64: 1000, 16>}]} {
    %get3A = arith.constant 0 : index
    %get3A_0 = arith.constant 0 : index
    %get3A_1 = arith.constant 0 : index
    %get3A_2 = vector.load %arg2[%get3A, %get3A_0, %get3A_1] : memref<2x1000x16xf32, #tpu.memory_space<vmem>>, vector<1x1000x16xf32>
    %get3A_3 = vector.shape_cast %get3A_2 : vector<1x1000x16xf32> to vector<1000x16xf32>
    %get3A_4 = arith.constant 1 : index
    %get3A_5 = arith.constant 0 : index
    %get3A_6 = arith.constant 0 : index
    %get3A_7 = vector.load %arg2[%get3A_4, %get3A_5, %get3A_6] : memref<2x1000x16xf32, #tpu.memory_space<vmem>>, vector<1x1000x16xf32>
    %get3A_8 = vector.shape_cast %get3A_7 : vector<1x1000x16xf32> to vector<1000x16xf32>
    %add3A = arith.addf %get3A_3, %get3A_8 : vector<1000x16xf32>
    %slice3A = vector.extract_strided_slice %add3A {offsets = [0, 10], sizes = [1000, 1], strides = [1, 1]} : vector<1000x16xf32> to vector<1000x1xf32>
    %max3A = arith.constant 1.000000e+00 : f32
    %max3A_9 = vector.broadcast %max3A : f32 to vector<1000x1xf32>
    %max3A_10 = arith.maximumf %slice3A, %max3A_9 : vector<1000x1xf32>
    %div3A = arith.constant 1.000000e+00 : f32
    %div3A_11 = vector.broadcast %div3A : f32 to vector<1000x1xf32>
    %div3A_12 = arith.divf %div3A_11, %max3A_10 : vector<1000x1xf32>
    %get3A_13 = arith.constant 0 : index
    %get3A_14 = arith.constant 0 : index
    %get3A_15 = vector.load %arg1[%get3A_13, %get3A_14] : memref<1000x16xf32, #tpu.memory_space<vmem>>, vector<1000x16xf32>
    %mul3A = vector.broadcast %div3A_12 : vector<1000x1xf32> to vector<1000x16xf32>
    %mul3A_16 = arith.mulf %add3A, %mul3A : vector<1000x16xf32>
    %add3A_17 = arith.addf %get3A_15, %mul3A_16 : vector<1000x16xf32>
    %slice3A_18 = vector.extract_strided_slice %add3A_17 {offsets = [0, 0], sizes = [1000, 10], strides = [1, 1]} : vector<1000x16xf32> to vector<1000x10xf32>
    %max3A_19 = arith.constant 0.000000e+00 : f32
    %max3A_20 = vector.broadcast %max3A_19 : f32 to vector<1000x10xf32>
    %max3A_21 = arith.maximumf %slice3A_18, %max3A_20 : vector<1000x10xf32>
    %get3A_22 = arith.constant 0 : index
    %get3A_23 = arith.constant 0 : index
    %get3A_24 = vector.load %arg3[%get3A_22, %get3A_23] : memref<20x10xf32, #tpu.memory_space<vmem>>, vector<10x10xf32>
    %dot_general3A = arith.constant dense<0.000000e+00> : vector<1000x10xf32>
    %dot_general3A_25 = tpu.matmul %max3A_21, %get3A_24, %dot_general3A {dimension_numbers = #tpu.dot_dimension_numbers<[1], [0], [0], [1], [0, 0, 1, 1], [], []>, precision = #tpu.contract_precision<fp32>, transpose_lhs_hint = false} : vector<1000x10xf32>, vector<10x10xf32>, vector<1000x10xf32> -> vector<1000x10xf32>
    %get3A_26 = arith.constant 10 : index
    %get3A_27 = arith.constant 0 : index
    %get3A_28 = vector.load %arg3[%get3A_26, %get3A_27] : memref<20x10xf32, #tpu.memory_space<vmem>>, vector<10x10xf32>
    %dot_general3A_29 = arith.constant dense<0.000000e+00> : vector<1000x10xf32>
    %dot_general3A_30 = tpu.matmul %max3A_21, %get3A_28, %dot_general3A_29 {dimension_numbers = #tpu.dot_dimension_numbers<[1], [0], [0], [1], [0, 0, 1, 1], [], []>, precision = #tpu.contract_precision<fp32>, transpose_lhs_hint = false} : vector<1000x10xf32>, vector<10x10xf32>, vector<1000x10xf32> -> vector<1000x10xf32>
    %broadcast_in_dim3A = arith.constant 0.000000e+00 : f32
    %broadcast_in_dim3A_31 = vector.broadcast %broadcast_in_dim3A : f32 to vector<1000x5xf32>
    %broadcast_in_dim3A_32 = arith.constant 0.000000e+00 : f32
    %broadcast_in_dim3A_33 = vector.broadcast %broadcast_in_dim3A_32 : f32 to vector<1000x1xf32>
    %broadcast_in_dim3A_34 = arith.constant 1.000000e+00 : f32
    %broadcast_in_dim3A_35 = vector.broadcast %broadcast_in_dim3A_34 : f32 to vector<1000x1xf32>
    %concatenate3A = tpu.concatenate %dot_general3A_25, %broadcast_in_dim3A_33, %broadcast_in_dim3A_31 in 1 : vector<1000x10xf32>, vector<1000x1xf32>, vector<1000x5xf32> -> vector<1000x16xf32>
    %concatenate3A_36 = tpu.concatenate %dot_general3A_30, %broadcast_in_dim3A_35, %broadcast_in_dim3A_31 in 1 : vector<1000x10xf32>, vector<1000x1xf32>, vector<1000x5xf32> -> vector<1000x16xf32>
    %swap3A = arith.constant 0 : index
    %swap3A_37 = arith.constant 0 : index
    %swap3A_38 = vector.load %arg4[%swap3A, %swap3A_37] : memref<1000x16xf32, #tpu.memory_space<vmem>>, vector<1000x16xf32>
    tpu.vector_store %arg4[%swap3A, %swap3A_37], %concatenate3A {strides = array<i32>} : memref<1000x16xf32, #tpu.memory_space<vmem>>, vector<1000x16xf32>,
    %swap3A_39 = arith.constant 0 : index
    %swap3A_40 = arith.constant 0 : index
    %swap3A_41 = vector.load %arg5[%swap3A_39, %swap3A_40] : memref<1000x16xf32, #tpu.memory_space<vmem>>, vector<1000x16xf32>
    tpu.vector_store %arg5[%swap3A_39, %swap3A_40], %concatenate3A_36 {strides = array<i32>} : memref<1000x16xf32, #tpu.memory_space<vmem>>, vector<1000x16xf32>,
    return
  }
  func.func @transform_0(%arg0: i32) -> (i32, i32) {
    %c0_i32 = arith.constant 0 : i32
    %c0_i32_0 = arith.constant 0 : i32
    return %arg0, %c0_i32 : i32, i32
  }
  func.func @transform_1(%arg0: i32) -> (i32, i32, i32) {
    %c0_i32 = arith.constant 0 : i32
    %c0_i32_0 = arith.constant 0 : i32
    %c0_i32_1 = arith.constant 0 : i32
    return %c0_i32, %arg0, %c0_i32_0 : i32, i32, i32
  }
  func.func @transform_2(%arg0: i32) -> (i32, i32) {
    %c0_i32 = arith.constant 0 : i32
    %c0_i32_0 = arith.constant 0 : i32
    %c0_i32_1 = arith.constant 0 : i32
    return %c0_i32, %c0_i32_0 : i32, i32
  }
  func.func @transform_3(%arg0: i32) -> (i32, i32) {
    %c0_i32 = arith.constant 0 : i32
    %c0_i32_0 = arith.constant 0 : i32
    return %arg0, %c0_i32 : i32, i32
  }
  func.func @transform_4(%arg0: i32) -> (i32, i32) {
    %c0_i32 = arith.constant 0 : i32
    %c0_i32_0 = arith.constant 0 : i32
    return %arg0, %c0_i32 : i32, i32
  }
}

module attributes {stable_mosaic.version = 14 : i64} {
  func.func @_k5_body(%arg0: i32, %arg1: memref<1000x16xf32, #tpu.memory_space<vmem>>, %arg2: memref<2x1000x16xf32, #tpu.memory_space<vmem>>, %arg3: memref<1x1x1000xi32, #tpu.memory_space<vmem>>, %arg4: memref<10x1xf32, #tpu.memory_space<vmem>>, %arg5: memref<64x1xf32, #tpu.memory_space<vmem>>, %arg6: memref<64x16xf32, #tpu.memory_space<vmem>>) attributes {dimension_semantics = [#tpu.dimension_semantics<arbitrary>], iteration_bounds = array<i64: 10>, scalar_prefetch = 0 : i64, scratch_operands = 1 : i64, tpu.core_type = #tpu.core_type<tc>, window_params = [{transform_indices = @transform_0, window_bounds = array<i64: 1000, 16>}, {transform_indices = @transform_1, window_bounds = array<i64: 2, 1000, 16>}, {transform_indices = @transform_2, window_bounds = array<i64: 1, 1, 1000>}, {pipeline_mode = #tpu.pipeline_mode<synchronous>, transform_indices = @transform_3, window_bounds = array<i64: 10, 1>}, {pipeline_mode = #tpu.pipeline_mode<synchronous>, transform_indices = @transform_4, window_bounds = array<i64: 64, 1>}]} {
    %get3A = arith.constant 0 : index
    %get3A_0 = arith.constant 0 : index
    %get3A_1 = arith.constant 0 : index
    %get3A_2 = vector.load %arg2[%get3A, %get3A_0, %get3A_1] : memref<2x1000x16xf32, #tpu.memory_space<vmem>>, vector<1x1000x16xf32>
    %get3A_3 = vector.shape_cast %get3A_2 : vector<1x1000x16xf32> to vector<1000x16xf32>
    %get3A_4 = arith.constant 1 : index
    %get3A_5 = arith.constant 0 : index
    %get3A_6 = arith.constant 0 : index
    %get3A_7 = vector.load %arg2[%get3A_4, %get3A_5, %get3A_6] : memref<2x1000x16xf32, #tpu.memory_space<vmem>>, vector<1x1000x16xf32>
    %get3A_8 = vector.shape_cast %get3A_7 : vector<1x1000x16xf32> to vector<1000x16xf32>
    %add3A = arith.addf %get3A_3, %get3A_8 : vector<1000x16xf32>
    %slice3A = vector.extract_strided_slice %add3A {offsets = [0, 10], sizes = [1000, 1], strides = [1, 1]} : vector<1000x16xf32> to vector<1000x1xf32>
    %max3A = arith.constant 1.000000e+00 : f32
    %max3A_9 = vector.broadcast %max3A : f32 to vector<1000x1xf32>
    %max3A_10 = arith.maximumf %slice3A, %max3A_9 : vector<1000x1xf32>
    %div3A = arith.constant 1.000000e+00 : f32
    %div3A_11 = vector.broadcast %div3A : f32 to vector<1000x1xf32>
    %div3A_12 = arith.divf %div3A_11, %max3A_10 : vector<1000x1xf32>
    %get3A_13 = arith.constant 0 : index
    %get3A_14 = arith.constant 0 : index
    %get3A_15 = vector.load %arg1[%get3A_13, %get3A_14] : memref<1000x16xf32, #tpu.memory_space<vmem>>, vector<1000x16xf32>
    %mul3A = vector.broadcast %div3A_12 : vector<1000x1xf32> to vector<1000x16xf32>
    %mul3A_16 = arith.mulf %add3A, %mul3A : vector<1000x16xf32>
    %add3A_17 = arith.addf %get3A_15, %mul3A_16 : vector<1000x16xf32>
    %iota3A = tpu.iota {dimensions = array<i32: 1>} : vector<1000x16xi32>
    %eq3A = arith.constant 10 : i32
    %eq3A_18 = vector.broadcast %eq3A : i32 to vector<1000x16xi32>
    %eq3A_19 = arith.cmpi eq, %iota3A, %eq3A_18 : vector<1000x16xi32>
    %jit3A = arith.constant 1.000000e+00 : f32
    %broadcast_in_dim3A = vector.broadcast %jit3A : f32 to vector<1000x16xf32>
    %select_n3A = arith.select %eq3A_19, %broadcast_in_dim3A, %add3A_17 : vector<1000x16xi1>, vector<1000x16xf32>
    %iota3A_20 = tpu.iota {dimensions = array<i32: 0>} : vector<64x1000xi32>
    %get3A_21 = arith.constant 0 : index
    %get3A_22 = arith.constant 0 : index
    %get3A_23 = arith.constant 0 : index
    %get3A_24 = vector.load %arg3[%get3A_21, %get3A_22, %get3A_23] : memref<1x1x1000xi32, #tpu.memory_space<vmem>>, vector<1x1x1000xi32>
    %get3A_25 = vector.shape_cast %get3A_24 : vector<1x1x1000xi32> to vector<1x1000xi32>
    %eq3A_26 = vector.broadcast %get3A_25 : vector<1x1000xi32> to vector<64x1000xi32>
    %eq3A_27 = arith.cmpi eq, %iota3A_20, %eq3A_26 : vector<64x1000xi32>
    %convert_element_type3A = arith.extui %eq3A_27 : vector<64x1000xi1> to vector<64x1000xi32>
    %convert_element_type3A_28 = arith.sitofp %convert_element_type3A : vector<64x1000xi32> to vector<64x1000xf32>
    %dot_general3A = arith.constant dense<0.000000e+00> : vector<64x16xf32>
    %dot_general3A_29 = tpu.matmul %convert_element_type3A_28, %select_n3A, %dot_general3A {dimension_numbers = #tpu.dot_dimension_numbers<[1], [0], [0], [1], [0, 0, 1, 1], [], []>, precision = #tpu.contract_precision<fp32>, transpose_lhs_hint = false} : vector<64x1000xf32>, vector<1000x16xf32>, vector<64x16xf32> -> vector<64x16xf32>
    %eq3A_30 = arith.constant 0 : i32
    %eq3A_31 = arith.cmpi eq, %arg0, %eq3A_30 : i32
    %convert_element_type3A_32 = arith.extui %eq3A_31 : i1 to i32
    %cond3A = arith.constant 0 : i32
    %cond3A_33 = arith.cmpi ne, %convert_element_type3A_32, %cond3A : i32
    scf.if %cond3A_33 {
      %broadcast_in_dim3A_45 = arith.constant 0.000000e+00 : f32
      %broadcast_in_dim3A_46 = vector.broadcast %broadcast_in_dim3A_45 : f32 to vector<64x16xf32>
      %swap3A_47 = arith.constant 0 : index
      %swap3A_48 = arith.constant 0 : index
      %swap3A_49 = vector.load %arg6[%swap3A_47, %swap3A_48] : memref<64x16xf32, #tpu.memory_space<vmem>>, vector<64x16xf32>
      tpu.vector_store %arg6[%swap3A_47, %swap3A_48], %broadcast_in_dim3A_46 {strides = array<i32>} : memref<64x16xf32, #tpu.memory_space<vmem>>, vector<64x16xf32>,
    } else {
    }
    %get3A_34 = arith.constant 0 : index
    %get3A_35 = arith.constant 0 : index
    %get3A_36 = vector.load %arg6[%get3A_34, %get3A_35] : memref<64x16xf32, #tpu.memory_space<vmem>>, vector<64x16xf32>
    %add3A_37 = arith.addf %get3A_36, %dot_general3A_29 : vector<64x16xf32>
    %swap3A = arith.constant 0 : index
    %swap3A_38 = arith.constant 0 : index
    %swap3A_39 = vector.load %arg6[%swap3A, %swap3A_38] : memref<64x16xf32, #tpu.memory_space<vmem>>, vector<64x16xf32>
    tpu.vector_store %arg6[%swap3A, %swap3A_38], %add3A_37 {strides = array<i32>} : memref<64x16xf32, #tpu.memory_space<vmem>>, vector<64x16xf32>,
    %eq3A_40 = arith.constant 9 : i32
    %eq3A_41 = arith.cmpi eq, %arg0, %eq3A_40 : i32
    %convert_element_type3A_42 = arith.extui %eq3A_41 : i1 to i32
    %cond3A_43 = arith.constant 0 : i32
    %cond3A_44 = arith.cmpi ne, %convert_element_type3A_42, %cond3A_43 : i32
    scf.if %cond3A_44 {
      %get3A_45 = arith.constant 0 : index
      %get3A_46 = arith.constant 0 : index
      %get3A_47 = vector.load %arg6[%get3A_45, %get3A_46] : memref<64x16xf32, #tpu.memory_space<vmem>>, vector<64x16xf32>
      %get3A_48 = arith.constant 0 : index
      %get3A_49 = arith.constant 10 : index
      %get3A_50 = vector.load %arg6[%get3A_48, %get3A_49] : memref<64x16xf32, #tpu.memory_space<vmem>>, vector<64x1xf32>
      %max3A_51 = arith.constant 1.000000e+00 : f32
      %max3A_52 = vector.broadcast %max3A_51 : f32 to vector<64x1xf32>
      %max3A_53 = arith.maximumf %get3A_50, %max3A_52 : vector<64x1xf32>
      %div3A_54 = vector.broadcast %max3A_53 : vector<64x1xf32> to vector<64x16xf32>
      %div3A_55 = arith.divf %get3A_47, %div3A_54 : vector<64x16xf32>
      %slice3A_56 = vector.extract_strided_slice %div3A_55 {offsets = [0, 0], sizes = [64, 10], strides = [1, 1]} : vector<64x16xf32> to vector<64x10xf32>
      %get3A_57 = arith.constant 0 : index
      %get3A_58 = arith.constant 0 : index
      %get3A_59 = vector.load %arg4[%get3A_57, %get3A_58] : memref<10x1xf32, #tpu.memory_space<vmem>>, vector<10x1xf32>
      %dot_general3A_60 = arith.constant dense<0.000000e+00> : vector<64x1xf32>
      %dot_general3A_61 = tpu.matmul %slice3A_56, %get3A_59, %dot_general3A_60 {dimension_numbers = #tpu.dot_dimension_numbers<[1], [0], [0], [1], [0, 0, 1, 1], [], []>, precision = #tpu.contract_precision<fp32>, transpose_lhs_hint = false} : vector<64x10xf32>, vector<10x1xf32>, vector<64x1xf32> -> vector<64x1xf32>
      %logistic3A = arith.negf %dot_general3A_61 : vector<64x1xf32>
      %logistic3A_62 = math.exp %logistic3A : vector<64x1xf32>
      %logistic3A_63 = arith.constant 1.000000e+00 : f32
      %logistic3A_64 = vector.broadcast %logistic3A_63 : f32 to vector<64x1xf32>
      %logistic3A_65 = arith.addf %logistic3A_64, %logistic3A_62 : vector<64x1xf32>
      %logistic3A_66 = arith.divf %logistic3A_64, %logistic3A_65 : vector<64x1xf32>
      %swap3A_67 = arith.constant 0 : index
      %swap3A_68 = arith.constant 0 : index
      %swap3A_69 = vector.load %arg5[%swap3A_67, %swap3A_68] : memref<64x1xf32, #tpu.memory_space<vmem>>, vector<64x1xf32>
      tpu.vector_store %arg5[%swap3A_67, %swap3A_68], %logistic3A_66 {strides = array<i32>} : memref<64x1xf32, #tpu.memory_space<vmem>>, vector<64x1xf32>,
    } else {
    }
    return
  }
  func.func @transform_0(%arg0: i32) -> (i32, i32) {
    %c0_i32 = arith.constant 0 : i32
    %c0_i32_0 = arith.constant 0 : i32
    return %arg0, %c0_i32 : i32, i32
  }
  func.func @transform_1(%arg0: i32) -> (i32, i32, i32) {
    %c0_i32 = arith.constant 0 : i32
    %c0_i32_0 = arith.constant 0 : i32
    %c0_i32_1 = arith.constant 0 : i32
    return %c0_i32, %arg0, %c0_i32_0 : i32, i32, i32
  }
  func.func @transform_2(%arg0: i32) -> (i32, i32, i32) {
    %c0_i32 = arith.constant 0 : i32
    %c0_i32_0 = arith.constant 0 : i32
    %c0_i32_1 = arith.constant 0 : i32
    return %arg0, %c0_i32, %c0_i32_0 : i32, i32, i32
  }
  func.func @transform_3(%arg0: i32) -> (i32, i32) {
    %c0_i32 = arith.constant 0 : i32
    %c0_i32_0 = arith.constant 0 : i32
    %c0_i32_1 = arith.constant 0 : i32
    return %c0_i32, %c0_i32_0 : i32, i32
  }
  func.func @transform_4(%arg0: i32) -> (i32, i32) {
    %c0_i32 = arith.constant 0 : i32
    %c0_i32_0 = arith.constant 0 : i32
    %c0_i32_1 = arith.constant 0 : i32
    return %c0_i32, %c0_i32_0 : i32, i32
  }
}

</mosaic_0001>

<sc_bundles>
// kernel: kernel.10.cloned.1.call-start
scs
__scs_entry_jumppad:
0x0: {  	(pc) =	sbr.rel $0x88, $3  }
0x1: {  	(tag) =	ssettag $0x0;
	lr =	simm.s32 $0x1  }
0x2: {  	[smem:$0x3F9B] =	sst lr;
	_ =	strace $0xD0000000  }
0x3: {  	_ = 	snop  }
0x4: {  	_ = 	snop  }
0x5: {  	_ = 	snop  }
0x6: {  	_ = 	snop  }
0x7: {  	_ = 	snop  }
__scs_overlays_trampoline_lowered:
0x8: {  	[smem:$0x3FAA] =	sst s0  }
0x9: {  	[smem:$0x3FAB] =	sst s1  }
0xa: {  	[smem:$0x3FAC] =	sst s2  }
0xb: {  	[smem:$0x3FAD] =	sst s3  }
0xc: {  	[smem:$0x3FAE] =	sst s4  }
0xd: {  	[smem:$0x3FAF] =	sst s5  }
0xe: {  	[smem:$0x3FB0] =	sst s6  }
0xf: {  	[smem:$0x3FB1] =	sst s7  }
0x10: {  	[smem:$0x3FB2] =	sst s8  }
0x11: {  	[smem:$0x3FB3] =	sst s9;
	s0 =	simm.s32 @!p0 $0x0  }
0x12: {  	s1 =	sld [smem:$0x3F99];
	s0 =	simm.s32 @p0 $0x1  }
0x13: {  	[smem:$0x3FB4] =	sst s0;
	s0 =	simm.s32 @!p1 $0x0  }
0x14: {  	s2 =	sld [smem:$0x3F98];
	s0 =	simm.s32 @p1 $0x1  }
0x15: {  	[smem:$0x3FB5] =	sst s0;
	s0 =	simm.s32 @!p2 $0x0  }
0x16: {  	s3 =	sld [smem:$0x3FDB];
	s0 =	simm.s32 @p2 $0x1  }
0x17: {  	s4 =	simm.s32 $0x1BF5;
	[smem:$0x3FB7] =	sst s0  }
0x18: {  	s0 =	sld [smem:$0x3F9A];
	_ =	swait.ge [sflag:s4], $0x0  }
0x19: {  	s7 =	sld [smem:$0x3F9B]  }
0x1a: {  	s8 =	sadd.s32 $0xFFFFE003, lr  }
0x1b: {  	s9 =	sadd.s32 $0xFFFFFEF7, lr;
	s5 =	simm.s32 $0xFFFFFFFF;
	p2 =	slt.u32 s8, $0xFFFFF086  }
0x1c: {  	p1 =	slt.u32 s9, $0xF7A;
	s5 =	simm.s32 @!p2 $0x0  }
0x1d: {  	s5 =	simm.s32 @p1 $0x1;
	p0 =	seq.s32 s7, s2  }
0x1e: {  	s7 =	smul.u32 @!p0 $0xF7A, s2;
	p2 =	seq.s32 @!p0 s5, $0x0  }
0x1f: {  	s9 =	smul.u32 $0xF7A, s1;
	s8 =	simm.s32 @!p0 $0x1BF5;
	p2 =	por !p2, p0  }
0x20: {  	[sflag:s8] =	ssyncset.s32 @!p0 $0xFFFFF086;
	s6 =	sadd.s32 @!p0 s3, s7;
	s7 =	simm.s32 @!p0 $0x108  }
0x21: {  	s3 =	sadd.s32 s3, s9;
	s6 =	sadd.s32 @!p0 $0x88, s6;
	s7 =	simm.s32 @p2 $0x1082  }
0x22: {  	[simem:s7], [sflag:s8] =	dma.local @!p0 [hbm:s6], $0xF7A  }
0x23: {  	s9 =	sor.u32 $0xD0000000, s2;
	s6 =	simm.s32 $0x108;
	_ =	swait.ge @!p0 [sflag:s8], $0x0  }
0x24: {  	s3 =	sadd.s32 $0x88, s3;
	s6 =	simm.s32 @!p1 $0x1082;
	[sflag:s4] =	ssyncset.s32 $0xFFFFF086  }
0x25: {  	[simem:s6], [sflag:s4] =	dma.local [hbm:s3], $0xF7A  }
0x26: {  	[smem:$0x3F9B] =	sst s1;
	(tag) =	ssettag s2;
	_ =	strace s9  }
0x27: {  	s1 =	sld [smem:$0x3FAB]  }
0x28: {  	s2 =	sld [smem:$0x3FAC]  }
0x29: {  	s4 =	sld [smem:$0x3FAE]  }
0x2a: {  	p0 =	seq.s32 s5, $0x0;
	s5 =	sld [smem:$0x3FAF]  }
0x2b: {  	s6 =	sld [smem:$0x3FB0]  }
0x2c: {  	s7 =	sld [smem:$0x3FB1]  }
0x2d: {  	s3 =	simm.s32 $0x108;
	s8 =	sld [smem:$0x3FB2]  }
0x2e: {  	s3 =	simm.s32 @!p0 $0x1082;
	s9 =	sld [smem:$0x3FB3]  }
0x2f: {  	lr =	sadd.s32 s0, s3;
	s0 =	sld [smem:$0x3FAA]  }
0x30: {  	s3 =	sld [smem:$0x3FAD]  }
0x31: {  	[smem:$0x3FB6] =	sst s10  }
0x32: {  	s10 =	sld [smem:$0x3FB4];
	_ =	sdelay $0x3  }
0x33: {  	p0 =	seq.s32 s10, $0x1;
	s10 =	sld [smem:$0x3FB6];
	_ =	sdelay $0x3  }
0x34: {  	[smem:$0x3FB6] =	sst s10  }
0x35: {  	s10 =	sld [smem:$0x3FB5];
	_ =	sdelay $0x3  }
0x36: {  	p1 =	seq.s32 s10, $0x1;
	s10 =	sld [smem:$0x3FB6];
	_ =	sdelay $0x3  }
0x37: {  	[smem:$0x3FB6] =	sst s10  }
0x38: {  	s10 =	sld [smem:$0x3FB7]  }
0x39: {  	_ = 	snop;
	(pc) =	sbr.ind lr, $3  }
0x3a: {  	_ = 	snop  }
0x3b: {  	_ = 	snop  }
0x3c: {  	p2 =	seq.s32 s10, $0x1;
	s10 =	sld [smem:$0x3FB6]  }
0x3d: {  	_ =	shalt  }
0x3e: {  	_ =	shalt  }
0x3f: {  	_ =	shalt  }
0x40: {  	_ =	shalt  }
0x41: {  	_ =	shalt  }
0x42: {  	_ =	shalt  }
0x43: {  	_ =	shalt  }
0x44: {  	_ =	shalt  }
0x45: {  	_ =	shalt  }
0x46: {  	_ =	shalt  }
0x47: {  	_ =	shalt  }
0x48: {  	_ =	shalt  }
0x49: {  	_ =	shalt  }
0x4a: {  	_ =	shalt  }
0x4b: {  	_ =	shalt  }
0x4c: {  	_ =	shalt  }
0x4d: {  	_ =	shalt  }
0x4e: {  	_ =	shalt  }
0x4f: {  	_ =	shalt  }
0x50: {  	_ =	shalt  }
0x51: {  	_ =	shalt  }
0x52: {  	_ =	shalt  }
0x53: {  	_ =	shalt  }
0x54: {  	_ =	shalt  }
0x55: {  	_ =	shalt  }
0x56: {  	_ =	shalt  }
0x57: {  	_ =	shalt  }
0x58: {  	_ =	shalt  }
0x59: {  	_ =	shalt  }
0x5a: {  	_ =	shalt  }
0x5b: {  	_ =	shalt  }
0x5c: {  	_ =	shalt  }
0x5d: {  	_ =	shalt  }
0x5e: {  	_ =	shalt  }
0x5f: {  	_ =	shalt  }
0x60: {  	_ =	shalt  }
0x61: {  	_ =	shalt  }
0x62: {  	_ =	shalt  }
0x63: {  	_ =	shalt  }
0x64: {  	_ =	shalt  }
0x65: {  	_ =	shalt  }
0x66: {  	_ =	shalt  }
0x67: {  	_ =	shalt  }
0x68: {  	_ =	shalt  }
0x69: {  	_ =	shalt  }
0x6a: {  	_ =	shalt  }
0x6b: {  	_ =	shalt  }
0x6c: {  	_ =	shalt  }
0x6d: {  	_ =	shalt  }
0x6e: {  	_ =	shalt  }
0x6f: {  	_ =	shalt  }
0x70: {  	_ =	shalt  }
0x71: {  	_ =	shalt  }
0x72: {  	_ =	shalt  }
0x73: {  	_ =	shalt  }
0x74: {  	_ =	shalt  }
0x75: {  	_ =	shalt  }
0x76: {  	_ =	shalt  }
0x77: {  	_ =	shalt  }
0x78: {  	_ =	shalt  }
0x79: {  	_ =	shalt  }
0x7a: {  	_ =	shalt  }
0x7b: {  	_ =	shalt  }
0x7c: {  	_ =	shalt  }
0x7d: {  	_ =	shalt  }
0x7e: {  	_ =	shalt  }
0x7f: {  	_ =	shalt  }
0x80: {  	_ =	shalt  }
0x81: {  	_ =	shalt  }
0x82: {  	_ =	shalt  }
0x83: {  	_ =	shalt  }
0x84: {  	_ =	shalt  }
0x85: {  	_ =	shalt  }
0x86: {  	_ =	shalt  }
0x87: {  	_ =	shalt  }
.Lfunc_end0:
.L_simem_size_0:
called_computation.1_lowered:
.L_overlay_start_0:
0x88: {  	s2 =	sld [smem:$0x3FD9]  }
0x89: {  	s3 =	sld [smem:$0x3FFE];
	_ =	sdelay $0x1  }
0x8a: {  	s1 =	srdreg.scid  }
0x8b: {  	s0 =	sand.u32 $0x1, s1  }
0x8c: {  	s16 =	sshll.u32 s0, $0xA;
	s2 =	sadd.s32 s3, s2  }
0x8d: {  	s2 =	sadd.s32 s2, s16  }
0x8e: {  	[smem:$0x3FC2] =	sst s2  }
0x8f: {  	_ = 	snop  }
0x90: {  	(tm) =	ssettm $0x1  }
0x91: {  	s17 =	sld [smem:$0x3FFB];
	_ =	sdelay $0x3  }
0x92: {  	_ =	strace s17  }
0x93: {  	s2 =	sld [smem:$0x3FFC];
	_ =	sdelay $0x3  }
0x94: {  	_ =	strace s2  }
0x95: {  	s2 =	sld [smem:$0x3FFD];
	_ =	sdelay $0x3  }
0x96: {  	_ =	strace s2  }
0x97: {  	_ =	strace $0x8FFFFFFF  }
0x98: {  	s18 =	sld [smem:$0x3FDB];
	_ =	sdelay $0x1  }
0x99: {  	s19 =	simm.s32 $_scs_section_size  }
0x9a: {  	s4 =	simm.s32 $_size__tile_overlayer_lowered;
	s5 =	simm.s32 $_tile_overlayer_lowered  }
0x9b: {  	s22 =	simm.s32 $0x1BFF;
	s21 =	sshll.u32 s5, $0x1;
	s2 =	sadd.s32 s19, s18  }
0x9c: {  	s6 =	simm.s32 $0x0;
	s20 =	sshll.u32 s4, $0x1;
	s4 =	sadd.s32 s21, s2  }
0x9d: {  	[timem:s6], [sflag:s22] =	dma.local [hbm:s4], s20  }
0x9e: {  	_ =	swait.ge [sflag:s22], s20  }
0x9f: {  	s3 =	ssub.s32 $0x0, s20;
	[sflag:s22] =	ssyncset.done $0x0  }
0xa0: {  	[sflag:s22] =	ssyncadd.s32 s3;
	_ =	sdelay $0x1  }
0xa1: {  	s23 =	simm.s32 $0x1B8B  }
0xa2: {  	_ =	swait.ge [sflag:s23], $0x1  }
0xa3: {  	[sflag:s23] =	ssyncset.done $0x0  }
0xa4: {  	s25 =	simm.s32 $0x1B8E;
	s24 =	sld [smem:$0x3FFE];
	[sflag:s23] =	ssyncadd.s32 $0xFFFFFFFF  }
0xa5: {  	s26 =	simm.s32 $execute0_lowered;
	[smem:$0x3FD2] =	sst s25  }
0xa6: {  	s4 =	sshll.u32 s26, $0x1;
	_ =	strace $0x80000049;
	[dreg:$0x1] =	wrdreg $0xFFFFFFFF  }
0xa7: {  	s28 =	simm.s32 $_size_execute0_lowered;
	s2 =	sadd.s32 s2, s4;
	[dreg:$0x0] =	wrdreg $0x0  }
0xa8: {  	s4 =	sshll.u32 s28, $0x1;
	[dreg:$0x2] =	wrdreg s2  }
0xa9: {  	[dreg:$0x3] =	wrdreg s4  }
0xaa: {  	[dreg:$0x4] =	wrdreg $0xC0  }
0xab: {  	_ =	task [dreg:s6], $0x5FFFF  }
0xac: {  	[dreg:$0x1] =	wrdreg $0xFFFFFFFF  }
0xad: {  	[dreg:$0x0] =	wrdreg $0x60  }
0xae: {  	[dreg:$0x2] =	wrdreg s24  }
0xaf: {  	[dreg:$0x3] =	wrdreg $0x4F000  }
0xb0: {  	[dreg:$0x4] =	wrdreg $0x9  }
0xb1: {  	_ =	task.clear_ibuf [dreg:s6], $0x5FFFF;
	_ =	strace $0x90000049  }
0xb2: {  	s29 =	simm.s32 $0x9;
	_ =	strace $0x8000004B  }
0xb3: {  	_ =	swait.ge [sflag:s29], $0x1  }
0xb4: {  	[sflag:s29] =	ssyncadd.s32 $0xFFFFFFFF  }
0xb5: {  	_ =	strace $0x9000004B  }
0xb6: {  	_ =	sfence  }
0xb7: {  	s30 =	sld [smem:$0x0];
	_ =	sdelay $0x2  }
0xb8: {  	s31 =	sshll.u32 s1, $0xD;
	s1 =	sshrl.u32 s1, $0x2  }
0xb9: {  	s3 =	sand.u32 $0x4000, s31;
	s1 =	sadd.s32 s1, s30  }
0xba: {  	s0 =	sor.u32 s3, s0;
	s1 =	sshll.u32 s1, $0x11  }
0xbb: {  	s0 =	sor.u32 s1, s0  }
0xbc: {  	s0 =	sadd.s32 $0x8F2B, s0  }
0xbd: {  	[sflag:s0] =	ssyncadd.remote.s32 $0x1  }
0xbe: {  	_ =	sfence.sel $0xFFFF  }
0xbf: {  	[dreg:$0x0] =	wrdreg $0xFFFFFFFF;
	(pc) =	sbr.abs _section_cstart, $3  }
0xc0: {  	[dreg:$0x1] =	wrdreg $0xFFFFFFFF  }
0xc1: {  	_ =	task.clear_ibuf [dreg:s6], $0x2FFFF;
	_ =	strace $0x9FFFFFFF  }
0xc2: {  	(tm) =	ssettm $0x7FFFFFFF  }
0xc3: {  	_ =	shalt  }
tec
execute0_lowered:
.L_overlay_start_1:
0x0: {  	(tag) =	ssettag $0x1  }
0x1: {  	s5 =	rddreg [dreg:$0x0]  }
0x2: {  	s9 =	rddreg [dreg:$0x1];
	s2 =	srdreg.scid  }
0x3: {  	s0 =	rddreg [dreg:$0x2];
	s1 =	stileid.u32;
	s19 =	simm.s32 $0x1FC1  }
0x4: {  	s3 =	sand.u32 $0x1, s2;
	s2 =	simm.s32 $0x0;
	s10 =	smul.u32 $0x2700, s1  }
0x5: {  	s7 =	sadd.s32 $0x6600, s5;
	s14 =	sadd.s32 $0x1F000, s5;
	s18 =	sadd.s32 $0x24900, s9  }
0x6: {  	s31 =	sshll.u32 s1, $0x4;
	s16 =	sshll.u32 s1, $0x6;
	p1 =	seq.s32 s1, $0xF  }
0x7: {  	s4 =	sshll.u32 s3, $0x4;
	[smem:$0x7FF] =	sst s2;
	s29 =	ssub.s32 $0x2, s3  }
0x8: {  	s13 =	smul.u32 $0x27100, s3;
	s16 =	sor.u32 $0x1C01, s16;
	s18 =	sshrl.u32 s18, $0x3  }
0x9: {  	s12 =	sor.u32 s1, s4;
	_ =	strace $0x8000004A;
	s28 =	sshrl.u32 s10, $0x3  }
0xa: {  	s8 =	sshrl.u32 s29, $0x1;
	s17 =	sadd.s32 s10, s9;
	s6 =	smul.u32 $0x2700, s12  }
0xb: {  	s11 =	sadd.s32 s28, s5;
	s15 =	ssub.s32 s29, s8;
	s30 =	sshrl.u32 s13, $0x3  }
0xc: {  	s5 =	sadd.s32 $0x1E920, s5;
	s8 =	sadd.s32 s31, s7;
	s13 =	sadd.s32 s10, s13  }
0xd: {  	p0 =	sgt.u32 s12, $0x3;
	s12 =	simm.s32 $0x1;
	s17 =	sshrl.u32 s17, $0x3  }
.Ltmp0:
0xe: {  	s13 =	sshrl.u32 s13, $0x3;
	s9 =	sadd.s32 $0x1A000, s11;
	(pc) =	sbr.rel .LBB2_1-.Ltmp0, $4  }
0xf: {  	s11 =	smax.u32 s15, $0x1;
	s15 =	simm.s32 $0x4E80;
	s6 =	sshrl.u32 s6, $0x3  }
0x10: {  	s10 =	sadd.s32 s14, s13;
	s13 =	simm.s32 $0x2780;
	s3 =	sadd.s32 s7, s6  }
0x11: {  	s6 =	sadd.s32 s14, s30;
	s7 =	sadd.s32 $0x9C00, s8;
	s8 =	sadd.s32 $0x13840, s8  }
0x12: {  	s14 =	simm.s32 $0x2700;
	s4 =	sadd.s32 $0x9C40, s3;
	s6 =	sadd.s32 $0x4920, s6  }
.LBB2_5:
0x13: {  	[spmem:s18], [sflag:s19] =	dma.local [hbm:s5], $0x500  }
0x14: {  	_ =	swait.ge [sflag:s12], $0x500  }
0x15: {  	[sflag:s12] =	ssyncset.done $0x0  }
0x16: {  	[sflag:s12] =	ssyncadd.s32 $0xFFFFFB00  }
0x17: {  	[bflag:$0x0] =	sbarrier.arrive $0xFFFF  }
0x18: {  	[bflag:$0x0] =	sbarrier.arrive $0xFFFF  }
0x19: {  	[hbm:s6], [sflag:s19] =	dma.local [spmem:s18], $0x500  }
0x1a: {  	_ =	swait.ge [sflag:s12], $0x500  }
0x1b: {  	[sflag:s12] =	ssyncset.done $0x0  }
0x1c: {  	[sflag:s12] =	ssyncadd.s32 $0xFFFFFB00  }
.LBB2_6:
0x1d: {  	s11 =	sadd.s32 $0xFFFFFFFF, s11  }
0x1e: {  	p2 =	sne.s32 s11, $0x0  }
.Ltmp1:
0x1f: {  	_ = 	snop;
	(pc) =	sbr.rel @!p2 .LBB2_7-.Ltmp1, $1  }
0x20: {  	_ =	sdelay $0x3  }
.LBB2_1:
0x21: {  	[tilespmem:s2], [sflag:$0x1] =	stream.linear.gather [hbm4b:s3+s2], $0x2700, $0x38;
	[tilespmem:$0x7610] =	vst v63  }
0x22: {  	_ =	swait.ge [sflag:s12], $0x2700  }
0x23: {  	[sflag:s12] =	ssyncset.done $0x0  }
.Ltmp2:
0x24: {  	[sflag:s12] =	ssyncadd.s32 $0xFFFFD900;
	(pc) =	sbr.rel @p0 .LBB2_3-.Ltmp2, $4  }
0x25: {  	[tilespmem:s13], [sflag:$0x1] =	stream.linear.gather [hbm4b:s4+s2], $0x2700, $0x38;
	[tilespmem:$0x7610] =	vst v63  }
0x26: {  	_ =	swait.ge [sflag:s12], $0x2700  }
0x27: {  	[sflag:s12] =	ssyncset.done $0x0  }
0x28: {  	[sflag:s12] =	ssyncadd.s32 $0xFFFFD900  }
0x29: {  	[tilespmem:s14], [sflag:$0x1] =	stream.linear.gather [hbm4b:s7+s2], $0x80, $0x38;
	[tilespmem:$0x7610] =	vst v63  }
0x2a: {  	_ =	swait.ge [sflag:s12], $0x80  }
0x2b: {  	[sflag:s12] =	ssyncset.done $0x0  }
.Ltmp3:
0x2c: {  	[sflag:s12] =	ssyncadd.s32 $0xFFFFFF80;
	(pc) =	sbr.rel .LBB2_4-.Ltmp3, $4  }
0x2d: {  	[tilespmem:s15], [sflag:$0x1] =	stream.linear.gather [hbm4b:s8+s2], $0x80, $0x38;
	[tilespmem:$0x7610] =	vst v63  }
0x2e: {  	_ =	swait.ge [sflag:s12], $0x80  }
0x2f: {  	[sflag:s12] =	ssyncset.done $0x0  }
0x30: {  	[sflag:s12] =	ssyncadd.s32 $0xFFFFFF80  }
.LBB2_3:
.Ltmp4:
0x31: {  	(pc) =	sbr.rel @p1 .LBB2_5-.Ltmp4, $1  }
0x32: {  	_ =	sdelay $0x3  }
.LBB2_4:
0x33: {  	[spmem:s17], [sflag:s16] =	dma.local [hbm:s9], $0x4E0  }
0x34: {  	_ =	swait.ge [sflag:s12], $0x4E0  }
0x35: {  	[sflag:s12] =	ssyncset.done $0x0  }
0x36: {  	[sflag:s12] =	ssyncadd.s32 $0xFFFFFB20  }
0x37: {  	[bflag:$0x0] =	sbarrier.arrive $0xFFFF  }
.Ltmp5:
0x38: {  	[bflag:$0x0] =	sbarrier.arrive $0xFFFF;
	(pc) =	sbr.rel .LBB2_6-.Ltmp5, $4  }
0x39: {  	[hbm:s10], [sflag:s16] =	dma.local [spmem:s17], $0x4E0  }
0x3a: {  	_ =	swait.ge [sflag:s12], $0x4E0  }
0x3b: {  	[sflag:s12] =	ssyncset.done $0x0  }
0x3c: {  	[sflag:s12] =	ssyncadd.s32 $0xFFFFFB20  }
.LBB2_7:
0x3d: {  	_ =	sfence.sel $0x180000  }
0x3e: {  	[bflag:$0x0] =	sbarrier.arrive $0xFFFF  }
0x3f: {  	p0 =	sne.s32 s1, $0x0;
	_ =	strace $0x9000004A  }
0x40: {  	s0 =	sadd.s32 @!p0 $0x100000, s0;
	[bflag:$0x2] =	sbarrier.arrive $0xFFFF  }
0x41: {  	[sflag:s0] =	ssyncadd.tile.s32 @!p0 $0x1;
	_ =	shalt  }
.Lfunc_end2:
_tile_overlayer_lowered:
.L_overlay_start_2:
0x42: {  	(tag) =	ssettag $0x2  }
0x43: {  	s0 =	rddreg [dreg:$0x0];
	s2 =	stileid.u32  }
0x44: {  	s1 =	rddreg [dreg:$0x1];
	p0 =	sne.s32 s2, $0x0  }
0x45: {  	s3 =	rddreg [dreg:$0x2];
	[bflag:$0x3] =	sbarrier.arrive $0xFFFF;
	s2 =	simm.s32 @!p0 $0x1C01  }
0x46: {  	[timem:s3], [sflag:s2] =	dma.local @!p0 [hbm:s0], s1  }
0x47: {  	s0 =	simm.s32 @!p0 $0x1  }
0x48: {  	_ =	swait.ge @!p0 [sflag:s0], s1  }
0x49: {  	s1 =	ssub.s32 @!p0 $0x0, s1;
	[sflag:s0] =	ssyncset.done @!p0 $0x0  }
0x4a: {  	[sflag:s0] =	ssyncadd.s32 @!p0 s1  }
0x4b: {  	[bflag:$0x3] =	sbarrier.arrive $0xFFFF  }
0x4c: {  	_ =	shalt  }

// kernel: kernel.7.cloned.1.call-start
scs
__scs_entry_jumppad:
0x0: {  	(pc) =	sbr.rel $0x88, $3  }
0x1: {  	(tag) =	ssettag $0x0;
	lr =	simm.s32 $0x1  }
0x2: {  	[smem:$0x3F9B] =	sst lr;
	_ =	strace $0xD0000000  }
0x3: {  	_ = 	snop  }
0x4: {  	_ = 	snop  }
0x5: {  	_ = 	snop  }
0x6: {  	_ = 	snop  }
0x7: {  	_ = 	snop  }
__scs_overlays_trampoline_lowered:
0x8: {  	[smem:$0x3FAA] =	sst s0  }
0x9: {  	[smem:$0x3FAB] =	sst s1  }
0xa: {  	[smem:$0x3FAC] =	sst s2  }
0xb: {  	[smem:$0x3FAD] =	sst s3  }
0xc: {  	[smem:$0x3FAE] =	sst s4  }
0xd: {  	[smem:$0x3FAF] =	sst s5  }
0xe: {  	[smem:$0x3FB0] =	sst s6  }
0xf: {  	[smem:$0x3FB1] =	sst s7  }
0x10: {  	[smem:$0x3FB2] =	sst s8  }
0x11: {  	[smem:$0x3FB3] =	sst s9;
	s0 =	simm.s32 @!p0 $0x0  }
0x12: {  	s1 =	sld [smem:$0x3F99];
	s0 =	simm.s32 @p0 $0x1  }
0x13: {  	[smem:$0x3FB4] =	sst s0;
	s0 =	simm.s32 @!p1 $0x0  }
0x14: {  	s2 =	sld [smem:$0x3F98];
	s0 =	simm.s32 @p1 $0x1  }
0x15: {  	[smem:$0x3FB5] =	sst s0;
	s0 =	simm.s32 @!p2 $0x0  }
0x16: {  	s3 =	sld [smem:$0x3FDB];
	s0 =	simm.s32 @p2 $0x1  }
0x17: {  	s4 =	simm.s32 $0x1BF5;
	[smem:$0x3FB7] =	sst s0  }
0x18: {  	s0 =	sld [smem:$0x3F9A];
	_ =	swait.ge [sflag:s4], $0x0  }
0x19: {  	s7 =	sld [smem:$0x3F9B]  }
0x1a: {  	s8 =	sadd.s32 $0xFFFFE003, lr  }
0x1b: {  	s9 =	sadd.s32 $0xFFFFFEF7, lr;
	s5 =	simm.s32 $0xFFFFFFFF;
	p2 =	slt.u32 s8, $0xFFFFF086  }
0x1c: {  	p1 =	slt.u32 s9, $0xF7A;
	s5 =	simm.s32 @!p2 $0x0  }
0x1d: {  	s5 =	simm.s32 @p1 $0x1;
	p0 =	seq.s32 s7, s2  }
0x1e: {  	s7 =	smul.u32 @!p0 $0xF7A, s2;
	p2 =	seq.s32 @!p0 s5, $0x0  }
0x1f: {  	s9 =	smul.u32 $0xF7A, s1;
	s8 =	simm.s32 @!p0 $0x1BF5;
	p2 =	por !p2, p0  }
0x20: {  	[sflag:s8] =	ssyncset.s32 @!p0 $0xFFFFF086;
	s6 =	sadd.s32 @!p0 s3, s7;
	s7 =	simm.s32 @!p0 $0x108  }
0x21: {  	s3 =	sadd.s32 s3, s9;
	s6 =	sadd.s32 @!p0 $0x88, s6;
	s7 =	simm.s32 @p2 $0x1082  }
0x22: {  	[simem:s7], [sflag:s8] =	dma.local @!p0 [hbm:s6], $0xF7A  }
0x23: {  	s9 =	sor.u32 $0xD0000000, s2;
	s6 =	simm.s32 $0x108;
	_ =	swait.ge @!p0 [sflag:s8], $0x0  }
0x24: {  	s3 =	sadd.s32 $0x88, s3;
	s6 =	simm.s32 @!p1 $0x1082;
	[sflag:s4] =	ssyncset.s32 $0xFFFFF086  }
0x25: {  	[simem:s6], [sflag:s4] =	dma.local [hbm:s3], $0xF7A  }
0x26: {  	[smem:$0x3F9B] =	sst s1;
	(tag) =	ssettag s2;
	_ =	strace s9  }
0x27: {  	s1 =	sld [smem:$0x3FAB]  }
0x28: {  	s2 =	sld [smem:$0x3FAC]  }
0x29: {  	s4 =	sld [smem:$0x3FAE]  }
0x2a: {  	p0 =	seq.s32 s5, $0x0;
	s5 =	sld [smem:$0x3FAF]  }
0x2b: {  	s6 =	sld [smem:$0x3FB0]  }
0x2c: {  	s7 =	sld [smem:$0x3FB1]  }
0x2d: {  	s3 =	simm.s32 $0x108;
	s8 =	sld [smem:$0x3FB2]  }
0x2e: {  	s3 =	simm.s32 @!p0 $0x1082;
	s9 =	sld [smem:$0x3FB3]  }
0x2f: {  	lr =	sadd.s32 s0, s3;
	s0 =	sld [smem:$0x3FAA]  }
0x30: {  	s3 =	sld [smem:$0x3FAD]  }
0x31: {  	[smem:$0x3FB6] =	sst s10  }
0x32: {  	s10 =	sld [smem:$0x3FB4];
	_ =	sdelay $0x3  }
0x33: {  	p0 =	seq.s32 s10, $0x1;
	s10 =	sld [smem:$0x3FB6];
	_ =	sdelay $0x3  }
0x34: {  	[smem:$0x3FB6] =	sst s10  }
0x35: {  	s10 =	sld [smem:$0x3FB5];
	_ =	sdelay $0x3  }
0x36: {  	p1 =	seq.s32 s10, $0x1;
	s10 =	sld [smem:$0x3FB6];
	_ =	sdelay $0x3  }
0x37: {  	[smem:$0x3FB6] =	sst s10  }
0x38: {  	s10 =	sld [smem:$0x3FB7]  }
0x39: {  	_ = 	snop;
	(pc) =	sbr.ind lr, $3  }
0x3a: {  	_ = 	snop  }
0x3b: {  	_ = 	snop  }
0x3c: {  	p2 =	seq.s32 s10, $0x1;
	s10 =	sld [smem:$0x3FB6]  }
0x3d: {  	_ =	shalt  }
0x3e: {  	_ =	shalt  }
0x3f: {  	_ =	shalt  }
0x40: {  	_ =	shalt  }
0x41: {  	_ =	shalt  }
0x42: {  	_ =	shalt  }
0x43: {  	_ =	shalt  }
0x44: {  	_ =	shalt  }
0x45: {  	_ =	shalt  }
0x46: {  	_ =	shalt  }
0x47: {  	_ =	shalt  }
0x48: {  	_ =	shalt  }
0x49: {  	_ =	shalt  }
0x4a: {  	_ =	shalt  }
0x4b: {  	_ =	shalt  }
0x4c: {  	_ =	shalt  }
0x4d: {  	_ =	shalt  }
0x4e: {  	_ =	shalt  }
0x4f: {  	_ =	shalt  }
0x50: {  	_ =	shalt  }
0x51: {  	_ =	shalt  }
0x52: {  	_ =	shalt  }
0x53: {  	_ =	shalt  }
0x54: {  	_ =	shalt  }
0x55: {  	_ =	shalt  }
0x56: {  	_ =	shalt  }
0x57: {  	_ =	shalt  }
0x58: {  	_ =	shalt  }
0x59: {  	_ =	shalt  }
0x5a: {  	_ =	shalt  }
0x5b: {  	_ =	shalt  }
0x5c: {  	_ =	shalt  }
0x5d: {  	_ =	shalt  }
0x5e: {  	_ =	shalt  }
0x5f: {  	_ =	shalt  }
0x60: {  	_ =	shalt  }
0x61: {  	_ =	shalt  }
0x62: {  	_ =	shalt  }
0x63: {  	_ =	shalt  }
0x64: {  	_ =	shalt  }
0x65: {  	_ =	shalt  }
0x66: {  	_ =	shalt  }
0x67: {  	_ =	shalt  }
0x68: {  	_ =	shalt  }
0x69: {  	_ =	shalt  }
0x6a: {  	_ =	shalt  }
0x6b: {  	_ =	shalt  }
0x6c: {  	_ =	shalt  }
0x6d: {  	_ =	shalt  }
0x6e: {  	_ =	shalt  }
0x6f: {  	_ =	shalt  }
0x70: {  	_ =	shalt  }
0x71: {  	_ =	shalt  }
0x72: {  	_ =	shalt  }
0x73: {  	_ =	shalt  }
0x74: {  	_ =	shalt  }
0x75: {  	_ =	shalt  }
0x76: {  	_ =	shalt  }
0x77: {  	_ =	shalt  }
0x78: {  	_ =	shalt  }
0x79: {  	_ =	shalt  }
0x7a: {  	_ =	shalt  }
0x7b: {  	_ =	shalt  }
0x7c: {  	_ =	shalt  }
0x7d: {  	_ =	shalt  }
0x7e: {  	_ =	shalt  }
0x7f: {  	_ =	shalt  }
0x80: {  	_ =	shalt  }
0x81: {  	_ =	shalt  }
0x82: {  	_ =	shalt  }
0x83: {  	_ =	shalt  }
0x84: {  	_ =	shalt  }
0x85: {  	_ =	shalt  }
0x86: {  	_ =	shalt  }
0x87: {  	_ =	shalt  }
.Lfunc_end0:
.L_simem_size_0:
called_computation_lowered:
.L_overlay_start_0:
0x88: {  	s2 =	sld [smem:$0x3FD9]  }
0x89: {  	s3 =	sld [smem:$0x3FFE];
	_ =	sdelay $0x1  }
0x8a: {  	s1 =	srdreg.scid  }
0x8b: {  	s0 =	sand.u32 $0x1, s1  }
0x8c: {  	s16 =	sshll.u32 s0, $0xA;
	s2 =	sadd.s32 s3, s2  }
0x8d: {  	s2 =	sadd.s32 s2, s16  }
0x8e: {  	[smem:$0x3FC2] =	sst s2  }
0x8f: {  	_ = 	snop  }
0x90: {  	(tm) =	ssettm $0x1  }
0x91: {  	s17 =	sld [smem:$0x3FFB];
	_ =	sdelay $0x3  }
0x92: {  	_ =	strace s17  }
0x93: {  	s2 =	sld [smem:$0x3FFC];
	_ =	sdelay $0x3  }
0x94: {  	_ =	strace s2  }
0x95: {  	s2 =	sld [smem:$0x3FFD];
	_ =	sdelay $0x3  }
0x96: {  	_ =	strace s2  }
0x97: {  	_ =	strace $0x8FFFFFFF  }
0x98: {  	s18 =	sld [smem:$0x3FDB];
	_ =	sdelay $0x1  }
0x99: {  	s19 =	simm.s32 $_scs_section_size  }
0x9a: {  	s4 =	simm.s32 $_size__tile_overlayer_lowered;
	s5 =	simm.s32 $_tile_overlayer_lowered  }
0x9b: {  	s22 =	simm.s32 $0x1BFF;
	s21 =	sshll.u32 s5, $0x1;
	s2 =	sadd.s32 s19, s18  }
0x9c: {  	s6 =	simm.s32 $0x0;
	s20 =	sshll.u32 s4, $0x1;
	s4 =	sadd.s32 s21, s2  }
0x9d: {  	[timem:s6], [sflag:s22] =	dma.local [hbm:s4], s20  }
0x9e: {  	_ =	swait.ge [sflag:s22], s20  }
0x9f: {  	s3 =	ssub.s32 $0x0, s20;
	[sflag:s22] =	ssyncset.done $0x0  }
0xa0: {  	[sflag:s22] =	ssyncadd.s32 s3;
	_ =	sdelay $0x1  }
0xa1: {  	s23 =	simm.s32 $0x1B8B  }
0xa2: {  	_ =	swait.ge [sflag:s23], $0x1  }
0xa3: {  	[sflag:s23] =	ssyncset.done $0x0  }
0xa4: {  	s25 =	simm.s32 $0x1B8E;
	s24 =	sld [smem:$0x3FFE];
	[sflag:s23] =	ssyncadd.s32 $0xFFFFFFFF  }
0xa5: {  	s26 =	simm.s32 $execute0_lowered;
	[smem:$0x3FD2] =	sst s25  }
0xa6: {  	s4 =	sshll.u32 s26, $0x1;
	_ =	strace $0x80000046;
	[dreg:$0x1] =	wrdreg $0xFFFFFFFF  }
0xa7: {  	s28 =	simm.s32 $_size_execute0_lowered;
	s2 =	sadd.s32 s2, s4;
	[dreg:$0x0] =	wrdreg $0x0  }
0xa8: {  	s4 =	sshll.u32 s28, $0x1;
	[dreg:$0x2] =	wrdreg s2  }
0xa9: {  	[dreg:$0x3] =	wrdreg s4  }
0xaa: {  	[dreg:$0x4] =	wrdreg $0xC0  }
0xab: {  	_ =	task [dreg:s6], $0x5FFFF  }
0xac: {  	[dreg:$0x1] =	wrdreg $0xFFFFFFFF  }
0xad: {  	[dreg:$0x0] =	wrdreg $0x60  }
0xae: {  	[dreg:$0x2] =	wrdreg s24  }
0xaf: {  	[dreg:$0x3] =	wrdreg $0x4F000  }
0xb0: {  	[dreg:$0x4] =	wrdreg $0x9  }
0xb1: {  	_ =	task.clear_ibuf [dreg:s6], $0x5FFFF;
	_ =	strace $0x90000046  }
0xb2: {  	s29 =	simm.s32 $0x9;
	_ =	strace $0x80000048  }
0xb3: {  	_ =	swait.ge [sflag:s29], $0x1  }
0xb4: {  	[sflag:s29] =	ssyncadd.s32 $0xFFFFFFFF  }
0xb5: {  	_ =	strace $0x90000048  }
0xb6: {  	_ =	sfence  }
0xb7: {  	s30 =	sld [smem:$0x0];
	_ =	sdelay $0x2  }
0xb8: {  	s31 =	sshll.u32 s1, $0xD;
	s1 =	sshrl.u32 s1, $0x2  }
0xb9: {  	s3 =	sand.u32 $0x4000, s31;
	s1 =	sadd.s32 s1, s30  }
0xba: {  	s0 =	sor.u32 s3, s0;
	s1 =	sshll.u32 s1, $0x11  }
0xbb: {  	s0 =	sor.u32 s1, s0  }
0xbc: {  	s0 =	sadd.s32 $0x8F2B, s0  }
0xbd: {  	[sflag:s0] =	ssyncadd.remote.s32 $0x1  }
0xbe: {  	_ =	sfence.sel $0xFFFF  }
0xbf: {  	[dreg:$0x0] =	wrdreg $0xFFFFFFFF;
	(pc) =	sbr.abs _section_cstart, $3  }
0xc0: {  	[dreg:$0x1] =	wrdreg $0xFFFFFFFF  }
0xc1: {  	_ =	task.clear_ibuf [dreg:s6], $0x2FFFF;
	_ =	strace $0x9FFFFFFF  }
0xc2: {  	(tm) =	ssettm $0x7FFFFFFF  }
0xc3: {  	_ =	shalt  }
tec
execute0_lowered:
.L_overlay_start_1:
0x0: {  	(tag) =	ssettag $0x1  }
0x1: {  	s5 =	rddreg [dreg:$0x0]  }
0x2: {  	s9 =	rddreg [dreg:$0x1];
	s2 =	srdreg.scid  }
0x3: {  	s0 =	rddreg [dreg:$0x2];
	s1 =	stileid.u32;
	s19 =	simm.s32 $0x1FC1  }
0x4: {  	s3 =	sand.u32 $0x1, s2;
	s2 =	simm.s32 $0x0;
	s10 =	smul.u32 $0x2700, s1  }
0x5: {  	s7 =	sadd.s32 $0x6600, s5;
	s14 =	sadd.s32 $0x1F000, s5;
	s18 =	sadd.s32 $0x24900, s9  }
0x6: {  	s31 =	sshll.u32 s1, $0x4;
	s16 =	sshll.u32 s1, $0x6;
	p1 =	seq.s32 s1, $0xF  }
0x7: {  	s4 =	sshll.u32 s3, $0x4;
	[smem:$0x7FF] =	sst s2;
	s29 =	ssub.s32 $0x2, s3  }
0x8: {  	s13 =	smul.u32 $0x27100, s3;
	s16 =	sor.u32 $0x1C01, s16;
	s18 =	sshrl.u32 s18, $0x3  }
0x9: {  	s12 =	sor.u32 s1, s4;
	_ =	strace $0x80000047;
	s28 =	sshrl.u32 s10, $0x3  }
0xa: {  	s8 =	sshrl.u32 s29, $0x1;
	s17 =	sadd.s32 s10, s9;
	s6 =	smul.u32 $0x2700, s12  }
0xb: {  	s11 =	sadd.s32 s28, s5;
	s15 =	ssub.s32 s29, s8;
	s30 =	sshrl.u32 s13, $0x3  }
0xc: {  	s5 =	sadd.s32 $0x1E920, s5;
	s8 =	sadd.s32 s31, s7;
	s13 =	sadd.s32 s10, s13  }
0xd: {  	p0 =	sgt.u32 s12, $0x3;
	s12 =	simm.s32 $0x1;
	s17 =	sshrl.u32 s17, $0x3  }
.Ltmp0:
0xe: {  	s13 =	sshrl.u32 s13, $0x3;
	s9 =	sadd.s32 $0x1A000, s11;
	(pc) =	sbr.rel .LBB2_1-.Ltmp0, $4  }
0xf: {  	s11 =	smax.u32 s15, $0x1;
	s15 =	simm.s32 $0x4E80;
	s6 =	sshrl.u32 s6, $0x3  }
0x10: {  	s10 =	sadd.s32 s14, s13;
	s13 =	simm.s32 $0x2780;
	s3 =	sadd.s32 s7, s6  }
0x11: {  	s6 =	sadd.s32 s14, s30;
	s7 =	sadd.s32 $0x9C00, s8;
	s8 =	sadd.s32 $0x13840, s8  }
0x12: {  	s14 =	simm.s32 $0x2700;
	s4 =	sadd.s32 $0x9C40, s3;
	s6 =	sadd.s32 $0x4920, s6  }
.LBB2_5:
0x13: {  	[spmem:s18], [sflag:s19] =	dma.local [hbm:s5], $0x500  }
0x14: {  	_ =	swait.ge [sflag:s12], $0x500  }
0x15: {  	[sflag:s12] =	ssyncset.done $0x0  }
0x16: {  	[sflag:s12] =	ssyncadd.s32 $0xFFFFFB00  }
0x17: {  	[bflag:$0x0] =	sbarrier.arrive $0xFFFF  }
0x18: {  	[bflag:$0x0] =	sbarrier.arrive $0xFFFF  }
0x19: {  	[hbm:s6], [sflag:s19] =	dma.local [spmem:s18], $0x500  }
0x1a: {  	_ =	swait.ge [sflag:s12], $0x500  }
0x1b: {  	[sflag:s12] =	ssyncset.done $0x0  }
0x1c: {  	[sflag:s12] =	ssyncadd.s32 $0xFFFFFB00  }
.LBB2_6:
0x1d: {  	s11 =	sadd.s32 $0xFFFFFFFF, s11  }
0x1e: {  	p2 =	sne.s32 s11, $0x0  }
.Ltmp1:
0x1f: {  	_ = 	snop;
	(pc) =	sbr.rel @!p2 .LBB2_7-.Ltmp1, $1  }
0x20: {  	_ =	sdelay $0x3  }
.LBB2_1:
0x21: {  	[tilespmem:s2], [sflag:$0x1] =	stream.linear.gather [hbm4b:s3+s2], $0x2700, $0x38;
	[tilespmem:$0x7610] =	vst v63  }
0x22: {  	_ =	swait.ge [sflag:s12], $0x2700  }
0x23: {  	[sflag:s12] =	ssyncset.done $0x0  }
.Ltmp2:
0x24: {  	[sflag:s12] =	ssyncadd.s32 $0xFFFFD900;
	(pc) =	sbr.rel @p0 .LBB2_3-.Ltmp2, $4  }
0x25: {  	[tilespmem:s13], [sflag:$0x1] =	stream.linear.gather [hbm4b:s4+s2], $0x2700, $0x38;
	[tilespmem:$0x7610] =	vst v63  }
0x26: {  	_ =	swait.ge [sflag:s12], $0x2700  }
0x27: {  	[sflag:s12] =	ssyncset.done $0x0  }
0x28: {  	[sflag:s12] =	ssyncadd.s32 $0xFFFFD900  }
0x29: {  	[tilespmem:s14], [sflag:$0x1] =	stream.linear.gather [hbm4b:s7+s2], $0x80, $0x38;
	[tilespmem:$0x7610] =	vst v63  }
0x2a: {  	_ =	swait.ge [sflag:s12], $0x80  }
0x2b: {  	[sflag:s12] =	ssyncset.done $0x0  }
.Ltmp3:
0x2c: {  	[sflag:s12] =	ssyncadd.s32 $0xFFFFFF80;
	(pc) =	sbr.rel .LBB2_4-.Ltmp3, $4  }
0x2d: {  	[tilespmem:s15], [sflag:$0x1] =	stream.linear.gather [hbm4b:s8+s2], $0x80, $0x38;
	[tilespmem:$0x7610] =	vst v63  }
0x2e: {  	_ =	swait.ge [sflag:s12], $0x80  }
0x2f: {  	[sflag:s12] =	ssyncset.done $0x0  }
0x30: {  	[sflag:s12] =	ssyncadd.s32 $0xFFFFFF80  }
.LBB2_3:
.Ltmp4:
0x31: {  	(pc) =	sbr.rel @p1 .LBB2_5-.Ltmp4, $1  }
0x32: {  	_ =	sdelay $0x3  }
.LBB2_4:
0x33: {  	[spmem:s17], [sflag:s16] =	dma.local [hbm:s9], $0x4E0  }
0x34: {  	_ =	swait.ge [sflag:s12], $0x4E0  }
0x35: {  	[sflag:s12] =	ssyncset.done $0x0  }
0x36: {  	[sflag:s12] =	ssyncadd.s32 $0xFFFFFB20  }
0x37: {  	[bflag:$0x0] =	sbarrier.arrive $0xFFFF  }
.Ltmp5:
0x38: {  	[bflag:$0x0] =	sbarrier.arrive $0xFFFF;
	(pc) =	sbr.rel .LBB2_6-.Ltmp5, $4  }
0x39: {  	[hbm:s10], [sflag:s16] =	dma.local [spmem:s17], $0x4E0  }
0x3a: {  	_ =	swait.ge [sflag:s12], $0x4E0  }
0x3b: {  	[sflag:s12] =	ssyncset.done $0x0  }
0x3c: {  	[sflag:s12] =	ssyncadd.s32 $0xFFFFFB20  }
.LBB2_7:
0x3d: {  	_ =	sfence.sel $0x180000  }
0x3e: {  	[bflag:$0x0] =	sbarrier.arrive $0xFFFF  }
0x3f: {  	p0 =	sne.s32 s1, $0x0;
	_ =	strace $0x90000047  }
0x40: {  	s0 =	sadd.s32 @!p0 $0x100000, s0;
	[bflag:$0x2] =	sbarrier.arrive $0xFFFF  }
0x41: {  	[sflag:s0] =	ssyncadd.tile.s32 @!p0 $0x1;
	_ =	shalt  }
.Lfunc_end2:
_tile_overlayer_lowered:
.L_overlay_start_2:
0x42: {  	(tag) =	ssettag $0x2  }
0x43: {  	s0 =	rddreg [dreg:$0x0];
	s2 =	stileid.u32  }
0x44: {  	s1 =	rddreg [dreg:$0x1];
	p0 =	sne.s32 s2, $0x0  }
0x45: {  	s3 =	rddreg [dreg:$0x2];
	[bflag:$0x3] =	sbarrier.arrive $0xFFFF;
	s2 =	simm.s32 @!p0 $0x1C01  }
0x46: {  	[timem:s3], [sflag:s2] =	dma.local @!p0 [hbm:s0], s1  }
0x47: {  	s0 =	simm.s32 @!p0 $0x1  }
0x48: {  	_ =	swait.ge @!p0 [sflag:s0], s1  }
0x49: {  	s1 =	ssub.s32 @!p0 $0x0, s1;
	[sflag:s0] =	ssyncset.done @!p0 $0x0  }
0x4a: {  	[sflag:s0] =	ssyncadd.s32 @!p0 s1  }
0x4b: {  	[bflag:$0x3] =	sbarrier.arrive $0xFFFF  }
0x4c: {  	_ =	shalt  }

</sc_bundles>
